<compile_context>
chip_gen: v7x
topology: tpu7x:2x2x1
jax: 0.10.2.dev20260603
libtpu: 0.0.44.dev20260713+nightly
codegen_flags: <defaults>
</compile_context>

<pallas_src>
import functools

import jax
import jax.numpy as jnp
from jax import lax
from jax.experimental import pallas as pl
from jax.experimental.pallas import tpu as pltpu
from jax.experimental.pallas import tpu_sc as plsc

N = 100000
E = 1600000
NIN = 512
NOUT = 512
LO = N - NOUT

_info = plsc.get_sparse_core_info()
NC = _info.num_cores
NS = _info.num_subcores
L = _info.num_lanes
NW = NC * NS

E_PER = 49920
CHUNK = 9984
NCHUNK = E_PER // CHUNK
VECS = CHUNK // L
TAIL_OFF = E_PER * 32
TAIL = E - TAIL_OFF

NBUF = 2
U = 6

assert NCHUNK * CHUNK == E_PER and VECS * L == CHUNK
assert VECS % U == 0 and E_PER % 128 == 0 and CHUNK % 128 == 0

_mesh = plsc.VectorSubcoreMesh(core_axis_name="c", subcore_axis_name="s")


@functools.partial(
    pl.kernel,
    mesh=_mesh,
    compiler_params=pltpu.CompilerParams(needs_layout_passes=False),
    out_type=jax.ShapeDtypeStruct(((NW + 1) * NOUT,), jnp.float32),
    scratch_types=[
        pltpu.VMEM((NIN,), jnp.float32),
        pltpu.VMEM((NOUT,), jnp.float32),
        pltpu.VMEM((2, CHUNK), jnp.int32),
        pltpu.VMEM((2, CHUNK), jnp.int32),
        pltpu.VMEM((CHUNK,), jnp.float32),
        pltpu.VMEM((CHUNK,), jnp.float32),
        pltpu.VMEM((2, TAIL), jnp.int32),
        pltpu.VMEM((TAIL,), jnp.float32),
        pltpu.SemaphoreType.DMA,
        pltpu.SemaphoreType.DMA,
    ],
)
def _edge_scan(x_hbm, edge_hbm, w_hbm, b_hbm, out_hbm,
               x_v, acc_v, ed0, ed1, w0, w1, edt, wt, sem0, sem1):
    sems = (sem0, sem1)
    eds = (ed0, ed1)
    ws = (w0, w1)
    wid = lax.axis_index("s") * NC + lax.axis_index("c")
    base = wid * E_PER

    pltpu.sync_copy(x_hbm, x_v)

    zero = jnp.zeros((L,), jnp.float32)

    def zbody(i, carry):
        acc_v[pl.ds(i * L, L)] = zero
        return carry

    lax.fori_loop(0, NOUT // L, zbody, 0)

    def start(c):
        b = c % NBUF
        off = base + c * CHUNK
        return [
            pltpu.async_copy(edge_hbm.at[:, pl.ds(off, CHUNK)], eds[b], sems[b]),
            pltpu.async_copy(w_hbm.at[pl.ds(off, CHUNK)], ws[b], sems[b]),
        ]

    handles = start(0)
    for c in range(NCHUNK):
        nxt = start(c + 1) if c + 1 < NCHUNK else None
        for h in handles:
            h.wait()
        handles = nxt
        b = c % NBUF
        ev, wv = eds[b], ws[b]

        @plsc.parallel_loop(0, CHUNK, L, unroll=U)
        def _(o):
            s = ev[0, pl.ds(o, L)]
            d = ev[1, pl.ds(o, L)]
            w = wv[pl.ds(o, L)]
            m = (s < NIN) & (d >= LO)
            xg = plsc.load_gather(x_v, [s & (NIN - 1)])
            plsc.addupdate_scatter(
                acc_v, [(d - LO) & (NOUT - 1)], w * xg, mask=m)

    @pl.when(wid == 0)
    def _():
        pltpu.sync_copy(edge_hbm.at[:, pl.ds(TAIL_OFF, TAIL)], edt)
        pltpu.sync_copy(w_hbm.at[pl.ds(TAIL_OFF, TAIL)], wt)

        @plsc.parallel_loop(0, TAIL, L, unroll=5)
        def _(o):
            s = edt[0, pl.ds(o, L)]
            d = edt[1, pl.ds(o, L)]
            w = wt[pl.ds(o, L)]
            m = (s < NIN) & (d >= LO)
            xg = plsc.load_gather(x_v, [s & (NIN - 1)])
            plsc.addupdate_scatter(
                acc_v, [(d - LO) & (NOUT - 1)], w * xg, mask=m)

        pltpu.sync_copy(b_hbm.at[pl.ds(LO, NOUT)], x_v)
        pltpu.sync_copy(x_v, out_hbm.at[pl.ds(NW * NOUT, NOUT)])

    pltpu.sync_copy(acc_v, out_hbm.at[pl.ds(wid * NOUT, NOUT)])


def _combine_body(p_ref, o_ref):
    o_ref[...] = jnp.tanh(jnp.sum(p_ref[...], axis=0, keepdims=True))


def kernel(x, edge_index, weights, biases):
    partials = _edge_scan(x, edge_index, weights, biases)
    out = pl.pallas_call(
        _combine_body,
        out_shape=jax.ShapeDtypeStruct((1, NOUT), jnp.float32),
    )(partials.reshape(NW + 1, NOUT))
    return out.reshape(NOUT)

# --- scband reference (transcript-rebuilt; emitter-appended) ---
"""Pipeline reference for scband-neural-network-27745488732940 (READ-ONLY COPY).

The authoritative reference and input builder live on the scoring server;
editing this copy changes nothing except your own understanding.
"""

import jax, jax.numpy as jnp
import numpy as np

N_NODES = 100000
N_EDGES = 1600000
N_INPUT = 512
N_OUTPUT = 512


def setup_inputs(seed: int = 0) -> dict:
    key = jax.random.key(seed)
    k1, k2, k3, k4, k5 = jax.random.split(key, 5)
    x = jax.random.normal(k1, (N_INPUT,), dtype=jnp.float32)
    src = jax.random.randint(k2, (N_EDGES,), 0, N_NODES, dtype=jnp.int32)
    dst = jax.random.randint(k3, (N_EDGES,), 0, N_NODES, dtype=jnp.int32)
    edge_index = jnp.stack([src, dst], axis=0)
    weights = jax.random.normal(k4, (N_EDGES,), dtype=jnp.float32) * 0.1
    biases = jax.random.normal(k5, (N_NODES,), dtype=jnp.float32) * 0.1
    return {"x": x, "edge_index": edge_index, "weights": weights, "biases": biases}


def reference(x, edge_index, weights, biases):
    # Initialize neuron states: input neurons (ids 0..N_INPUT-1) get the input vector,
    # all other neurons start at zero (reset_neuron_states).
    states = jnp.zeros((N_NODES,), dtype=jnp.float32)
    states = states.at[:N_INPUT].set(x)
    src = edge_index[0]
    dst = edge_index[1]
    # Connection-gene pass: state[to] += weight * state[from]
    # (vectorized as gather + scatter-add / segment_sum over destination neurons)
    msgs = weights * jnp.take(states, src, axis=0)
    states = states + jax.ops.segment_sum(msgs, dst, num_segments=N_NODES)
    # Per-neuron bias + activation (all neurons use tanh activation gene)
    states = jnp.tanh(states + biases)
    # Output layer = last N_OUTPUT neuron ids
    return states[N_NODES - N_OUTPUT:]

if __name__ == "__main__":
    import jax
    _d = setup_inputs()
    print(jax.jit(kernel)(*tuple(_d.values())))

</pallas_src>

<mosaic_0001>
#map = affine_map<(d0, d1) -> (0)>
#map1 = affine_map<(d0, d1) -> (0, 0)>
module attributes {stable_mosaic.version = 14 : i64} {
  func.func @_edge_scan(%arg0: i32, %arg1: i32, %arg2: memref<512xf32, #tpu.memory_space<hbm>>, %arg3: memref<2x1600000xi32, #tpu.memory_space<hbm>>, %arg4: memref<1600000xf32, #tpu.memory_space<hbm>>, %arg5: memref<100000xf32, #tpu.memory_space<hbm>>, %arg6: memref<16896xf32, #tpu.memory_space<hbm>>, %arg7: memref<512xf32, #tpu.memory_space<vmem>>, %arg8: memref<512xf32, #tpu.memory_space<vmem>>, %arg9: memref<2x9984xi32, #tpu.memory_space<vmem>>, %arg10: memref<2x9984xi32, #tpu.memory_space<vmem>>, %arg11: memref<9984xf32, #tpu.memory_space<vmem>>, %arg12: memref<9984xf32, #tpu.memory_space<vmem>>, %arg13: memref<2x2560xi32, #tpu.memory_space<vmem>>, %arg14: memref<2560xf32, #tpu.memory_space<vmem>>, %arg15: memref<!tpu.dma_semaphore, #tpu.memory_space<semaphore_mem>>, %arg16: memref<!tpu.dma_semaphore, #tpu.memory_space<semaphore_mem>>) attributes {dimension_semantics = [#tpu.dimension_semantics<core_parallel>, #tpu.dimension_semantics<subcore_parallel>], iteration_bounds = array<i64: 2, 16>, scalar_prefetch = 0 : i64, scratch_operands = 10 : i64, tpu.core_type = #tpu.core_type<sc_vector_subcore>, window_params = [{transform_indices = #map}, {transform_indices = #map1}, {transform_indices = #map}, {transform_indices = #map}, {transform_indices = #map}]} {
    %mul3A = arith.constant 2 : i32
    %mul3A_0 = arith.muli %arg1, %mul3A : i32
    %add3A = arith.addi %mul3A_0, %arg0 : i32
    %mul3A_1 = arith.constant 49920 : i32
    %mul3A_2 = arith.muli %add3A, %mul3A_1 : i32
    "tpu.region"() ({
      %run_scoped3A = tpu.sem_alloc : memref<!tpu.dma_semaphore, #tpu.memory_space<semaphore_mem>>
      tpu.enqueue_dma source(%arg2 : memref<512xf32, #tpu.memory_space<hbm>>) target(%arg7 : memref<512xf32, #tpu.memory_space<vmem>>) target_semaphore(%run_scoped3A : memref<!tpu.dma_semaphore, #tpu.memory_space<semaphore_mem>>)
      tpu.wait_dma2 semaphore(%run_scoped3A : memref<!tpu.dma_semaphore, #tpu.memory_space<semaphore_mem>>) src(%arg2 : memref<512xf32, #tpu.memory_space<hbm>>) dst(%arg7 : memref<512xf32, #tpu.memory_space<vmem>>)
      tpu.yield
    }) : () -> ()
    %broadcast_in_dim3A = arith.constant 0.000000e+00 : f32
    %broadcast_in_dim3A_3 = vector.broadcast %broadcast_in_dim3A : f32 to vector<16xf32>
    %scan3A = arith.constant 0 : i32
    %scan3A_4 = arith.constant 0 : i32
    %scan3A_5 = arith.constant 32 : i32
    %scan3A_6 = arith.addi %scan3A_4, %scan3A_5 : i32
    %scan3A_7 = arith.constant 1 : i32
    scf.for %scan3A_95 = %scan3A_4 to %scan3A_6 step %scan3A_7  : i32 {
      %mul3A_96 = arith.constant 16 : i32
      %mul3A_97 = arith.muli %scan3A_95, %mul3A_96 : i32
      %swap3A = arith.index_cast %mul3A_97 : i32 to index
      %swap3A_98 = tpu.vector_load %arg8[%swap3A] {strides = array<i32>} : memref<512xf32, #tpu.memory_space<vmem>>, vector<16xf32>,
      tpu.vector_store %arg8[%swap3A], %broadcast_in_dim3A_3 {strides = array<i32>} : memref<512xf32, #tpu.memory_space<vmem>>, vector<16xf32>,
    }
    %scan3A_8 = arith.constant 32 : i32
    %add3A_9 = arith.constant 0 : i32
    %add3A_10 = arith.addi %mul3A_2, %add3A_9 : i32
    %dma_start3A = arith.constant 0 : i32
    %dma_start3A_11 = tpu.memref_slice %arg3[%dma_start3A, %add3A_10] : memref<2x1600000xi32, #tpu.memory_space<hbm>> -> memref<2x9984xi32, #tpu.memory_space<hbm>>
    %dma_start3A_12 = arith.constant 0 : i32
    %dma_start3A_13 = tpu.memref_slice %arg3[%dma_start3A_12, %add3A_10] : memref<2x1600000xi32, #tpu.memory_space<hbm>> -> memref<2x9984xi32, #tpu.memory_space<hbm>>
    tpu.enqueue_dma source(%dma_start3A_13 : memref<2x9984xi32, #tpu.memory_space<hbm>>) target(%arg9 : memref<2x9984xi32, #tpu.memory_space<vmem>>) target_semaphore(%arg15 : memref<!tpu.dma_semaphore, #tpu.memory_space<semaphore_mem>>)
    %dma_start3A_14 = tpu.memref_slice %arg4[%add3A_10] : memref<1600000xf32, #tpu.memory_space<hbm>> -> memref<9984xf32, #tpu.memory_space<hbm>>
    %dma_start3A_15 = tpu.memref_slice %arg4[%add3A_10] : memref<1600000xf32, #tpu.memory_space<hbm>> -> memref<9984xf32, #tpu.memory_space<hbm>>
    tpu.enqueue_dma source(%dma_start3A_15 : memref<9984xf32, #tpu.memory_space<hbm>>) target(%arg11 : memref<9984xf32, #tpu.memory_space<vmem>>) target_semaphore(%arg15 : memref<!tpu.dma_semaphore, #tpu.memory_space<semaphore_mem>>)
    %add3A_16 = arith.constant 9984 : i32
    %add3A_17 = arith.addi %mul3A_2, %add3A_16 : i32
    %dma_start3A_18 = arith.constant 0 : i32
    %dma_start3A_19 = tpu.memref_slice %arg3[%dma_start3A_18, %add3A_17] : memref<2x1600000xi32, #tpu.memory_space<hbm>> -> memref<2x9984xi32, #tpu.memory_space<hbm>>
    %dma_start3A_20 = arith.constant 0 : i32
    %dma_start3A_21 = tpu.memref_slice %arg3[%dma_start3A_20, %add3A_17] : memref<2x1600000xi32, #tpu.memory_space<hbm>> -> memref<2x9984xi32, #tpu.memory_space<hbm>>
    tpu.enqueue_dma source(%dma_start3A_21 : memref<2x9984xi32, #tpu.memory_space<hbm>>) target(%arg10 : memref<2x9984xi32, #tpu.memory_space<vmem>>) target_semaphore(%arg16 : memref<!tpu.dma_semaphore, #tpu.memory_space<semaphore_mem>>)
    %dma_start3A_22 = tpu.memref_slice %arg4[%add3A_17] : memref<1600000xf32, #tpu.memory_space<hbm>> -> memref<9984xf32, #tpu.memory_space<hbm>>
    %dma_start3A_23 = tpu.memref_slice %arg4[%add3A_17] : memref<1600000xf32, #tpu.memory_space<hbm>> -> memref<9984xf32, #tpu.memory_space<hbm>>
    tpu.enqueue_dma source(%dma_start3A_23 : memref<9984xf32, #tpu.memory_space<hbm>>) target(%arg12 : memref<9984xf32, #tpu.memory_space<vmem>>) target_semaphore(%arg16 : memref<!tpu.dma_semaphore, #tpu.memory_space<semaphore_mem>>)
    %dma_wait3A = arith.constant 0 : i32
    %dma_wait3A_24 = tpu.memref_slice %arg3[%dma_wait3A, %add3A_10] : memref<2x1600000xi32, #tpu.memory_space<hbm>> -> memref<2x9984xi32, #tpu.memory_space<hbm>>
    %dma_wait3A_25 = arith.constant 0 : i32
    %dma_wait3A_26 = tpu.memref_slice %arg3[%dma_wait3A_25, %add3A_10] : memref<2x1600000xi32, #tpu.memory_space<hbm>> -> memref<2x9984xi32, #tpu.memory_space<hbm>>
    tpu.wait_dma2 semaphore(%arg15 : memref<!tpu.dma_semaphore, #tpu.memory_space<semaphore_mem>>) src(%dma_wait3A_26 : memref<2x9984xi32, #tpu.memory_space<hbm>>) dst(%arg9 : memref<2x9984xi32, #tpu.memory_space<vmem>>)
    %dma_wait3A_27 = tpu.memref_slice %arg4[%add3A_10] : memref<1600000xf32, #tpu.memory_space<hbm>> -> memref<9984xf32, #tpu.memory_space<hbm>>
    %dma_wait3A_28 = tpu.memref_slice %arg4[%add3A_10] : memref<1600000xf32, #tpu.memory_space<hbm>> -> memref<9984xf32, #tpu.memory_space<hbm>>
    tpu.wait_dma2 semaphore(%arg15 : memref<!tpu.dma_semaphore, #tpu.memory_space<semaphore_mem>>) src(%dma_wait3A_28 : memref<9984xf32, #tpu.memory_space<hbm>>) dst(%arg11 : memref<9984xf32, #tpu.memory_space<vmem>>)
    %parallel_loop3A = arith.constant 0 : i32
    %parallel_loop3A_29 = arith.constant 9984 : i32
    %parallel_loop3A_30 = arith.constant 16 : i32
    scf.for %parallel_loop3A_95 = %parallel_loop3A to %parallel_loop3A_29 step %parallel_loop3A_30  : i32 {
      %parallel_loop3A_96 = arith.constant 0 : i32
      %parallel_loop3A_97 = arith.index_cast %parallel_loop3A_96 : i32 to index
      %parallel_loop3A_98 = arith.index_cast %parallel_loop3A_95 : i32 to index
      %parallel_loop3A_99 = tpu.vector_load %arg9[%parallel_loop3A_97, %parallel_loop3A_98] {strides = array<i32>} : memref<2x9984xi32, #tpu.memory_space<vmem>>, vector<16xi32>,
      %parallel_loop3A_100 = arith.constant 1 : i32
      %parallel_loop3A_101 = arith.index_cast %parallel_loop3A_100 : i32 to index
      %parallel_loop3A_102 = arith.index_cast %parallel_loop3A_95 : i32 to index
      %parallel_loop3A_103 = tpu.vector_load %arg9[%parallel_loop3A_101, %parallel_loop3A_102] {strides = array<i32>} : memref<2x9984xi32, #tpu.memory_space<vmem>>, vector<16xi32>,
      %parallel_loop3A_104 = arith.index_cast %parallel_loop3A_95 : i32 to index
      %parallel_loop3A_105 = tpu.vector_load %arg11[%parallel_loop3A_104] {strides = array<i32>} : memref<9984xf32, #tpu.memory_space<vmem>>, vector<16xf32>,
      %parallel_loop3A_106 = arith.constant 512 : i32
      %parallel_loop3A_107 = vector.broadcast %parallel_loop3A_106 : i32 to vector<16xi32>
      %parallel_loop3A_108 = arith.cmpi slt, %parallel_loop3A_99, %parallel_loop3A_107 : vector<16xi32>
      %parallel_loop3A_109 = arith.constant 99488 : i32
      %parallel_loop3A_110 = vector.broadcast %parallel_loop3A_109 : i32 to vector<16xi32>
      %parallel_loop3A_111 = arith.cmpi sge, %parallel_loop3A_103, %parallel_loop3A_110 : vector<16xi32>
      %parallel_loop3A_112 = arith.andi %parallel_loop3A_108, %parallel_loop3A_111 : vector<16xi1>
      %parallel_loop3A_113 = arith.constant 511 : i32
      %parallel_loop3A_114 = vector.broadcast %parallel_loop3A_113 : i32 to vector<16xi32>
      %parallel_loop3A_115 = arith.andi %parallel_loop3A_99, %parallel_loop3A_114 : vector<16xi32>
      %parallel_loop3A_116 = tpu.vector_load_idx %arg7[%parallel_loop3A_115] : memref<512xf32, #tpu.memory_space<vmem>>[vector<16xi32>], vector<16xf32>,
      %parallel_loop3A_117 = arith.constant 99488 : i32
      %parallel_loop3A_118 = vector.broadcast %parallel_loop3A_117 : i32 to vector<16xi32>
      %parallel_loop3A_119 = arith.subi %parallel_loop3A_103, %parallel_loop3A_118 : vector<16xi32>
      %parallel_loop3A_120 = arith.constant 511 : i32
      %parallel_loop3A_121 = vector.broadcast %parallel_loop3A_120 : i32 to vector<16xi32>
      %parallel_loop3A_122 = arith.andi %parallel_loop3A_119, %parallel_loop3A_121 : vector<16xi32>
      %parallel_loop3A_123 = arith.mulf %parallel_loop3A_105, %parallel_loop3A_116 : vector<16xf32>
      tpu.vector_store_idx %arg8[%parallel_loop3A_122], %parallel_loop3A_123 masked %parallel_loop3A_112 {add = true} : memref<512xf32, #tpu.memory_space<vmem>>[vector<16xi32>], vector<16xf32>, vector<16xi1>
    } {sc.loop_unroll_factor = 6 : i64, sc.parallel_access}
    %add3A_31 = arith.constant 19968 : i32
    %add3A_32 = arith.addi %mul3A_2, %add3A_31 : i32
    %dma_start3A_33 = arith.constant 0 : i32
    %dma_start3A_34 = tpu.memref_slice %arg3[%dma_start3A_33, %add3A_32] : memref<2x1600000xi32, #tpu.memory_space<hbm>> -> memref<2x9984xi32, #tpu.memory_space<hbm>>
    %dma_start3A_35 = arith.constant 0 : i32
    %dma_start3A_36 = tpu.memref_slice %arg3[%dma_start3A_35, %add3A_32] : memref<2x1600000xi32, #tpu.memory_space<hbm>> -> memref<2x9984xi32, #tpu.memory_space<hbm>>
    tpu.enqueue_dma source(%dma_start3A_36 : memref<2x9984xi32, #tpu.memory_space<hbm>>) target(%arg9 : memref<2x9984xi32, #tpu.memory_space<vmem>>) target_semaphore(%arg15 : memref<!tpu.dma_semaphore, #tpu.memory_space<semaphore_mem>>)
    %dma_start3A_37 = tpu.memref_slice %arg4[%add3A_32] : memref<1600000xf32, #tpu.memory_space<hbm>> -> memref<9984xf32, #tpu.memory_space<hbm>>
    %dma_start3A_38 = tpu.memref_slice %arg4[%add3A_32] : memref<1600000xf32, #tpu.memory_space<hbm>> -> memref<9984xf32, #tpu.memory_space<hbm>>
    tpu.enqueue_dma source(%dma_start3A_38 : memref<9984xf32, #tpu.memory_space<hbm>>) target(%arg11 : memref<9984xf32, #tpu.memory_space<vmem>>) target_semaphore(%arg15 : memref<!tpu.dma_semaphore, #tpu.memory_space<semaphore_mem>>)
    %dma_wait3A_39 = arith.constant 0 : i32
    %dma_wait3A_40 = tpu.memref_slice %arg3[%dma_wait3A_39, %add3A_17] : memref<2x1600000xi32, #tpu.memory_space<hbm>> -> memref<2x9984xi32, #tpu.memory_space<hbm>>
    %dma_wait3A_41 = arith.constant 0 : i32
    %dma_wait3A_42 = tpu.memref_slice %arg3[%dma_wait3A_41, %add3A_17] : memref<2x1600000xi32, #tpu.memory_space<hbm>> -> memref<2x9984xi32, #tpu.memory_space<hbm>>
    tpu.wait_dma2 semaphore(%arg16 : memref<!tpu.dma_semaphore, #tpu.memory_space<semaphore_mem>>) src(%dma_wait3A_42 : memref<2x9984xi32, #tpu.memory_space<hbm>>) dst(%arg10 : memref<2x9984xi32, #tpu.memory_space<vmem>>)
    %dma_wait3A_43 = tpu.memref_slice %arg4[%add3A_17] : memref<1600000xf32, #tpu.memory_space<hbm>> -> memref<9984xf32, #tpu.memory_space<hbm>>
    %dma_wait3A_44 = tpu.memref_slice %arg4[%add3A_17] : memref<1600000xf32, #tpu.memory_space<hbm>> -> memref<9984xf32, #tpu.memory_space<hbm>>
    tpu.wait_dma2 semaphore(%arg16 : memref<!tpu.dma_semaphore, #tpu.memory_space<semaphore_mem>>) src(%dma_wait3A_44 : memref<9984xf32, #tpu.memory_space<hbm>>) dst(%arg12 : memref<9984xf32, #tpu.memory_space<vmem>>)
    %parallel_loop3A_45 = arith.constant 0 : i32
    %parallel_loop3A_46 = arith.constant 9984 : i32
    %parallel_loop3A_47 = arith.constant 16 : i32
    scf.for %parallel_loop3A_95 = %parallel_loop3A_45 to %parallel_loop3A_46 step %parallel_loop3A_47  : i32 {
      %parallel_loop3A_96 = arith.constant 0 : i32
      %parallel_loop3A_97 = arith.index_cast %parallel_loop3A_96 : i32 to index
      %parallel_loop3A_98 = arith.index_cast %parallel_loop3A_95 : i32 to index
      %parallel_loop3A_99 = tpu.vector_load %arg10[%parallel_loop3A_97, %parallel_loop3A_98] {strides = array<i32>} : memref<2x9984xi32, #tpu.memory_space<vmem>>, vector<16xi32>,
      %parallel_loop3A_100 = arith.constant 1 : i32
      %parallel_loop3A_101 = arith.index_cast %parallel_loop3A_100 : i32 to index
      %parallel_loop3A_102 = arith.index_cast %parallel_loop3A_95 : i32 to index
      %parallel_loop3A_103 = tpu.vector_load %arg10[%parallel_loop3A_101, %parallel_loop3A_102] {strides = array<i32>} : memref<2x9984xi32, #tpu.memory_space<vmem>>, vector<16xi32>,
      %parallel_loop3A_104 = arith.index_cast %parallel_loop3A_95 : i32 to index
      %parallel_loop3A_105 = tpu.vector_load %arg12[%parallel_loop3A_104] {strides = array<i32>} : memref<9984xf32, #tpu.memory_space<vmem>>, vector<16xf32>,
      %parallel_loop3A_106 = arith.constant 512 : i32
      %parallel_loop3A_107 = vector.broadcast %parallel_loop3A_106 : i32 to vector<16xi32>
      %parallel_loop3A_108 = arith.cmpi slt, %parallel_loop3A_99, %parallel_loop3A_107 : vector<16xi32>
      %parallel_loop3A_109 = arith.constant 99488 : i32
      %parallel_loop3A_110 = vector.broadcast %parallel_loop3A_109 : i32 to vector<16xi32>
      %parallel_loop3A_111 = arith.cmpi sge, %parallel_loop3A_103, %parallel_loop3A_110 : vector<16xi32>
      %parallel_loop3A_112 = arith.andi %parallel_loop3A_108, %parallel_loop3A_111 : vector<16xi1>
      %parallel_loop3A_113 = arith.constant 511 : i32
      %parallel_loop3A_114 = vector.broadcast %parallel_loop3A_113 : i32 to vector<16xi32>
      %parallel_loop3A_115 = arith.andi %parallel_loop3A_99, %parallel_loop3A_114 : vector<16xi32>
      %parallel_loop3A_116 = tpu.vector_load_idx %arg7[%parallel_loop3A_115] : memref<512xf32, #tpu.memory_space<vmem>>[vector<16xi32>], vector<16xf32>,
      %parallel_loop3A_117 = arith.constant 99488 : i32
      %parallel_loop3A_118 = vector.broadcast %parallel_loop3A_117 : i32 to vector<16xi32>
      %parallel_loop3A_119 = arith.subi %parallel_loop3A_103, %parallel_loop3A_118 : vector<16xi32>
      %parallel_loop3A_120 = arith.constant 511 : i32
      %parallel_loop3A_121 = vector.broadcast %parallel_loop3A_120 : i32 to vector<16xi32>
      %parallel_loop3A_122 = arith.andi %parallel_loop3A_119, %parallel_loop3A_121 : vector<16xi32>
      %parallel_loop3A_123 = arith.mulf %parallel_loop3A_105, %parallel_loop3A_116 : vector<16xf32>
      tpu.vector_store_idx %arg8[%parallel_loop3A_122], %parallel_loop3A_123 masked %parallel_loop3A_112 {add = true} : memref<512xf32, #tpu.memory_space<vmem>>[vector<16xi32>], vector<16xf32>, vector<16xi1>
    } {sc.loop_unroll_factor = 6 : i64, sc.parallel_access}
    %add3A_48 = arith.constant 29952 : i32
    %add3A_49 = arith.addi %mul3A_2, %add3A_48 : i32
    %dma_start3A_50 = arith.constant 0 : i32
    %dma_start3A_51 = tpu.memref_slice %arg3[%dma_start3A_50, %add3A_49] : memref<2x1600000xi32, #tpu.memory_space<hbm>> -> memref<2x9984xi32, #tpu.memory_space<hbm>>
    %dma_start3A_52 = arith.constant 0 : i32
    %dma_start3A_53 = tpu.memref_slice %arg3[%dma_start3A_52, %add3A_49] : memref<2x1600000xi32, #tpu.memory_space<hbm>> -> memref<2x9984xi32, #tpu.memory_space<hbm>>
    tpu.enqueue_dma source(%dma_start3A_53 : memref<2x9984xi32, #tpu.memory_space<hbm>>) target(%arg10 : memref<2x9984xi32, #tpu.memory_space<vmem>>) target_semaphore(%arg16 : memref<!tpu.dma_semaphore, #tpu.memory_space<semaphore_mem>>)
    %dma_start3A_54 = tpu.memref_slice %arg4[%add3A_49] : memref<1600000xf32, #tpu.memory_space<hbm>> -> memref<9984xf32, #tpu.memory_space<hbm>>
    %dma_start3A_55 = tpu.memref_slice %arg4[%add3A_49] : memref<1600000xf32, #tpu.memory_space<hbm>> -> memref<9984xf32, #tpu.memory_space<hbm>>
    tpu.enqueue_dma source(%dma_start3A_55 : memref<9984xf32, #tpu.memory_space<hbm>>) target(%arg12 : memref<9984xf32, #tpu.memory_space<vmem>>) target_semaphore(%arg16 : memref<!tpu.dma_semaphore, #tpu.memory_space<semaphore_mem>>)
    %dma_wait3A_56 = arith.constant 0 : i32
    %dma_wait3A_57 = tpu.memref_slice %arg3[%dma_wait3A_56, %add3A_32] : memref<2x1600000xi32, #tpu.memory_space<hbm>> -> memref<2x9984xi32, #tpu.memory_space<hbm>>
    %dma_wait3A_58 = arith.constant 0 : i32
    %dma_wait3A_59 = tpu.memref_slice %arg3[%dma_wait3A_58, %add3A_32] : memref<2x1600000xi32, #tpu.memory_space<hbm>> -> memref<2x9984xi32, #tpu.memory_space<hbm>>
    tpu.wait_dma2 semaphore(%arg15 : memref<!tpu.dma_semaphore, #tpu.memory_space<semaphore_mem>>) src(%dma_wait3A_59 : memref<2x9984xi32, #tpu.memory_space<hbm>>) dst(%arg9 : memref<2x9984xi32, #tpu.memory_space<vmem>>)
    %dma_wait3A_60 = tpu.memref_slice %arg4[%add3A_32] : memref<1600000xf32, #tpu.memory_space<hbm>> -> memref<9984xf32, #tpu.memory_space<hbm>>
    %dma_wait3A_61 = tpu.memref_slice %arg4[%add3A_32] : memref<1600000xf32, #tpu.memory_space<hbm>> -> memref<9984xf32, #tpu.memory_space<hbm>>
    tpu.wait_dma2 semaphore(%arg15 : memref<!tpu.dma_semaphore, #tpu.memory_space<semaphore_mem>>) src(%dma_wait3A_61 : memref<9984xf32, #tpu.memory_space<hbm>>) dst(%arg11 : memref<9984xf32, #tpu.memory_space<vmem>>)
    %parallel_loop3A_62 = arith.constant 0 : i32
    %parallel_loop3A_63 = arith.constant 9984 : i32
    %parallel_loop3A_64 = arith.constant 16 : i32
    scf.for %parallel_loop3A_95 = %parallel_loop3A_62 to %parallel_loop3A_63 step %parallel_loop3A_64  : i32 {
      %parallel_loop3A_96 = arith.constant 0 : i32
      %parallel_loop3A_97 = arith.index_cast %parallel_loop3A_96 : i32 to index
      %parallel_loop3A_98 = arith.index_cast %parallel_loop3A_95 : i32 to index
      %parallel_loop3A_99 = tpu.vector_load %arg9[%parallel_loop3A_97, %parallel_loop3A_98] {strides = array<i32>} : memref<2x9984xi32, #tpu.memory_space<vmem>>, vector<16xi32>,
      %parallel_loop3A_100 = arith.constant 1 : i32
      %parallel_loop3A_101 = arith.index_cast %parallel_loop3A_100 : i32 to index
      %parallel_loop3A_102 = arith.index_cast %parallel_loop3A_95 : i32 to index
      %parallel_loop3A_103 = tpu.vector_load %arg9[%parallel_loop3A_101, %parallel_loop3A_102] {strides = array<i32>} : memref<2x9984xi32, #tpu.memory_space<vmem>>, vector<16xi32>,
      %parallel_loop3A_104 = arith.index_cast %parallel_loop3A_95 : i32 to index
      %parallel_loop3A_105 = tpu.vector_load %arg11[%parallel_loop3A_104] {strides = array<i32>} : memref<9984xf32, #tpu.memory_space<vmem>>, vector<16xf32>,
      %parallel_loop3A_106 = arith.constant 512 : i32
      %parallel_loop3A_107 = vector.broadcast %parallel_loop3A_106 : i32 to vector<16xi32>
      %parallel_loop3A_108 = arith.cmpi slt, %parallel_loop3A_99, %parallel_loop3A_107 : vector<16xi32>
      %parallel_loop3A_109 = arith.constant 99488 : i32
      %parallel_loop3A_110 = vector.broadcast %parallel_loop3A_109 : i32 to vector<16xi32>
      %parallel_loop3A_111 = arith.cmpi sge, %parallel_loop3A_103, %parallel_loop3A_110 : vector<16xi32>
      %parallel_loop3A_112 = arith.andi %parallel_loop3A_108, %parallel_loop3A_111 : vector<16xi1>
      %parallel_loop3A_113 = arith.constant 511 : i32
      %parallel_loop3A_114 = vector.broadcast %parallel_loop3A_113 : i32 to vector<16xi32>
      %parallel_loop3A_115 = arith.andi %parallel_loop3A_99, %parallel_loop3A_114 : vector<16xi32>
      %parallel_loop3A_116 = tpu.vector_load_idx %arg7[%parallel_loop3A_115] : memref<512xf32, #tpu.memory_space<vmem>>[vector<16xi32>], vector<16xf32>,
      %parallel_loop3A_117 = arith.constant 99488 : i32
      %parallel_loop3A_118 = vector.broadcast %parallel_loop3A_117 : i32 to vector<16xi32>
      %parallel_loop3A_119 = arith.subi %parallel_loop3A_103, %parallel_loop3A_118 : vector<16xi32>
      %parallel_loop3A_120 = arith.constant 511 : i32
      %parallel_loop3A_121 = vector.broadcast %parallel_loop3A_120 : i32 to vector<16xi32>
      %parallel_loop3A_122 = arith.andi %parallel_loop3A_119, %parallel_loop3A_121 : vector<16xi32>
      %parallel_loop3A_123 = arith.mulf %parallel_loop3A_105, %parallel_loop3A_116 : vector<16xf32>
      tpu.vector_store_idx %arg8[%parallel_loop3A_122], %parallel_loop3A_123 masked %parallel_loop3A_112 {add = true} : memref<512xf32, #tpu.memory_space<vmem>>[vector<16xi32>], vector<16xf32>, vector<16xi1>
    } {sc.loop_unroll_factor = 6 : i64, sc.parallel_access}
    %add3A_65 = arith.constant 39936 : i32
    %add3A_66 = arith.addi %mul3A_2, %add3A_65 : i32
    %dma_start3A_67 = arith.constant 0 : i32
    %dma_start3A_68 = tpu.memref_slice %arg3[%dma_start3A_67, %add3A_66] : memref<2x1600000xi32, #tpu.memory_space<hbm>> -> memref<2x9984xi32, #tpu.memory_space<hbm>>
    %dma_start3A_69 = arith.constant 0 : i32
    %dma_start3A_70 = tpu.memref_slice %arg3[%dma_start3A_69, %add3A_66] : memref<2x1600000xi32, #tpu.memory_space<hbm>> -> memref<2x9984xi32, #tpu.memory_space<hbm>>
    tpu.enqueue_dma source(%dma_start3A_70 : memref<2x9984xi32, #tpu.memory_space<hbm>>) target(%arg9 : memref<2x9984xi32, #tpu.memory_space<vmem>>) target_semaphore(%arg15 : memref<!tpu.dma_semaphore, #tpu.memory_space<semaphore_mem>>)
    %dma_start3A_71 = tpu.memref_slice %arg4[%add3A_66] : memref<1600000xf32, #tpu.memory_space<hbm>> -> memref<9984xf32, #tpu.memory_space<hbm>>
    %dma_start3A_72 = tpu.memref_slice %arg4[%add3A_66] : memref<1600000xf32, #tpu.memory_space<hbm>> -> memref<9984xf32, #tpu.memory_space<hbm>>
    tpu.enqueue_dma source(%dma_start3A_72 : memref<9984xf32, #tpu.memory_space<hbm>>) target(%arg11 : memref<9984xf32, #tpu.memory_space<vmem>>) target_semaphore(%arg15 : memref<!tpu.dma_semaphore, #tpu.memory_space<semaphore_mem>>)
    %dma_wait3A_73 = arith.constant 0 : i32
    %dma_wait3A_74 = tpu.memref_slice %arg3[%dma_wait3A_73, %add3A_49] : memref<2x1600000xi32, #tpu.memory_space<hbm>> -> memref<2x9984xi32, #tpu.memory_space<hbm>>
    %dma_wait3A_75 = arith.constant 0 : i32
    %dma_wait3A_76 = tpu.memref_slice %arg3[%dma_wait3A_75, %add3A_49] : memref<2x1600000xi32, #tpu.memory_space<hbm>> -> memref<2x9984xi32, #tpu.memory_space<hbm>>
    tpu.wait_dma2 semaphore(%arg16 : memref<!tpu.dma_semaphore, #tpu.memory_space<semaphore_mem>>) src(%dma_wait3A_76 : memref<2x9984xi32, #tpu.memory_space<hbm>>) dst(%arg10 : memref<2x9984xi32, #tpu.memory_space<vmem>>)
    %dma_wait3A_77 = tpu.memref_slice %arg4[%add3A_49] : memref<1600000xf32, #tpu.memory_space<hbm>> -> memref<9984xf32, #tpu.memory_space<hbm>>
    %dma_wait3A_78 = tpu.memref_slice %arg4[%add3A_49] : memref<1600000xf32, #tpu.memory_space<hbm>> -> memref<9984xf32, #tpu.memory_space<hbm>>
    tpu.wait_dma2 semaphore(%arg16 : memref<!tpu.dma_semaphore, #tpu.memory_space<semaphore_mem>>) src(%dma_wait3A_78 : memref<9984xf32, #tpu.memory_space<hbm>>) dst(%arg12 : memref<9984xf32, #tpu.memory_space<vmem>>)
    %parallel_loop3A_79 = arith.constant 0 : i32
    %parallel_loop3A_80 = arith.constant 9984 : i32
    %parallel_loop3A_81 = arith.constant 16 : i32
    scf.for %parallel_loop3A_95 = %parallel_loop3A_79 to %parallel_loop3A_80 step %parallel_loop3A_81  : i32 {
      %parallel_loop3A_96 = arith.constant 0 : i32
      %parallel_loop3A_97 = arith.index_cast %parallel_loop3A_96 : i32 to index
      %parallel_loop3A_98 = arith.index_cast %parallel_loop3A_95 : i32 to index
      %parallel_loop3A_99 = tpu.vector_load %arg10[%parallel_loop3A_97, %parallel_loop3A_98] {strides = array<i32>} : memref<2x9984xi32, #tpu.memory_space<vmem>>, vector<16xi32>,
      %parallel_loop3A_100 = arith.constant 1 : i32
      %parallel_loop3A_101 = arith.index_cast %parallel_loop3A_100 : i32 to index
      %parallel_loop3A_102 = arith.index_cast %parallel_loop3A_95 : i32 to index
      %parallel_loop3A_103 = tpu.vector_load %arg10[%parallel_loop3A_101, %parallel_loop3A_102] {strides = array<i32>} : memref<2x9984xi32, #tpu.memory_space<vmem>>, vector<16xi32>,
      %parallel_loop3A_104 = arith.index_cast %parallel_loop3A_95 : i32 to index
      %parallel_loop3A_105 = tpu.vector_load %arg12[%parallel_loop3A_104] {strides = array<i32>} : memref<9984xf32, #tpu.memory_space<vmem>>, vector<16xf32>,
      %parallel_loop3A_106 = arith.constant 512 : i32
      %parallel_loop3A_107 = vector.broadcast %parallel_loop3A_106 : i32 to vector<16xi32>
      %parallel_loop3A_108 = arith.cmpi slt, %parallel_loop3A_99, %parallel_loop3A_107 : vector<16xi32>
      %parallel_loop3A_109 = arith.constant 99488 : i32
      %parallel_loop3A_110 = vector.broadcast %parallel_loop3A_109 : i32 to vector<16xi32>
      %parallel_loop3A_111 = arith.cmpi sge, %parallel_loop3A_103, %parallel_loop3A_110 : vector<16xi32>
      %parallel_loop3A_112 = arith.andi %parallel_loop3A_108, %parallel_loop3A_111 : vector<16xi1>
      %parallel_loop3A_113 = arith.constant 511 : i32
      %parallel_loop3A_114 = vector.broadcast %parallel_loop3A_113 : i32 to vector<16xi32>
      %parallel_loop3A_115 = arith.andi %parallel_loop3A_99, %parallel_loop3A_114 : vector<16xi32>
      %parallel_loop3A_116 = tpu.vector_load_idx %arg7[%parallel_loop3A_115] : memref<512xf32, #tpu.memory_space<vmem>>[vector<16xi32>], vector<16xf32>,
      %parallel_loop3A_117 = arith.constant 99488 : i32
      %parallel_loop3A_118 = vector.broadcast %parallel_loop3A_117 : i32 to vector<16xi32>
      %parallel_loop3A_119 = arith.subi %parallel_loop3A_103, %parallel_loop3A_118 : vector<16xi32>
      %parallel_loop3A_120 = arith.constant 511 : i32
      %parallel_loop3A_121 = vector.broadcast %parallel_loop3A_120 : i32 to vector<16xi32>
      %parallel_loop3A_122 = arith.andi %parallel_loop3A_119, %parallel_loop3A_121 : vector<16xi32>
      %parallel_loop3A_123 = arith.mulf %parallel_loop3A_105, %parallel_loop3A_116 : vector<16xf32>
      tpu.vector_store_idx %arg8[%parallel_loop3A_122], %parallel_loop3A_123 masked %parallel_loop3A_112 {add = true} : memref<512xf32, #tpu.memory_space<vmem>>[vector<16xi32>], vector<16xf32>, vector<16xi1>
    } {sc.loop_unroll_factor = 6 : i64, sc.parallel_access}
    %dma_wait3A_82 = arith.constant 0 : i32
    %dma_wait3A_83 = tpu.memref_slice %arg3[%dma_wait3A_82, %add3A_66] : memref<2x1600000xi32, #tpu.memory_space<hbm>> -> memref<2x9984xi32, #tpu.memory_space<hbm>>
    %dma_wait3A_84 = arith.constant 0 : i32
    %dma_wait3A_85 = tpu.memref_slice %arg3[%dma_wait3A_84, %add3A_66] : memref<2x1600000xi32, #tpu.memory_space<hbm>> -> memref<2x9984xi32, #tpu.memory_space<hbm>>
    tpu.wait_dma2 semaphore(%arg15 : memref<!tpu.dma_semaphore, #tpu.memory_space<semaphore_mem>>) src(%dma_wait3A_85 : memref<2x9984xi32, #tpu.memory_space<hbm>>) dst(%arg9 : memref<2x9984xi32, #tpu.memory_space<vmem>>)
    %dma_wait3A_86 = tpu.memref_slice %arg4[%add3A_66] : memref<1600000xf32, #tpu.memory_space<hbm>> -> memref<9984xf32, #tpu.memory_space<hbm>>
    %dma_wait3A_87 = tpu.memref_slice %arg4[%add3A_66] : memref<1600000xf32, #tpu.memory_space<hbm>> -> memref<9984xf32, #tpu.memory_space<hbm>>
    tpu.wait_dma2 semaphore(%arg15 : memref<!tpu.dma_semaphore, #tpu.memory_space<semaphore_mem>>) src(%dma_wait3A_87 : memref<9984xf32, #tpu.memory_space<hbm>>) dst(%arg11 : memref<9984xf32, #tpu.memory_space<vmem>>)
    %parallel_loop3A_88 = arith.constant 0 : i32
    %parallel_loop3A_89 = arith.constant 9984 : i32
    %parallel_loop3A_90 = arith.constant 16 : i32
    scf.for %parallel_loop3A_95 = %parallel_loop3A_88 to %parallel_loop3A_89 step %parallel_loop3A_90  : i32 {
      %parallel_loop3A_96 = arith.constant 0 : i32
      %parallel_loop3A_97 = arith.index_cast %parallel_loop3A_96 : i32 to index
      %parallel_loop3A_98 = arith.index_cast %parallel_loop3A_95 : i32 to index
      %parallel_loop3A_99 = tpu.vector_load %arg9[%parallel_loop3A_97, %parallel_loop3A_98] {strides = array<i32>} : memref<2x9984xi32, #tpu.memory_space<vmem>>, vector<16xi32>,
      %parallel_loop3A_100 = arith.constant 1 : i32
      %parallel_loop3A_101 = arith.index_cast %parallel_loop3A_100 : i32 to index
      %parallel_loop3A_102 = arith.index_cast %parallel_loop3A_95 : i32 to index
      %parallel_loop3A_103 = tpu.vector_load %arg9[%parallel_loop3A_101, %parallel_loop3A_102] {strides = array<i32>} : memref<2x9984xi32, #tpu.memory_space<vmem>>, vector<16xi32>,
      %parallel_loop3A_104 = arith.index_cast %parallel_loop3A_95 : i32 to index
      %parallel_loop3A_105 = tpu.vector_load %arg11[%parallel_loop3A_104] {strides = array<i32>} : memref<9984xf32, #tpu.memory_space<vmem>>, vector<16xf32>,
      %parallel_loop3A_106 = arith.constant 512 : i32
      %parallel_loop3A_107 = vector.broadcast %parallel_loop3A_106 : i32 to vector<16xi32>
      %parallel_loop3A_108 = arith.cmpi slt, %parallel_loop3A_99, %parallel_loop3A_107 : vector<16xi32>
      %parallel_loop3A_109 = arith.constant 99488 : i32
      %parallel_loop3A_110 = vector.broadcast %parallel_loop3A_109 : i32 to vector<16xi32>
      %parallel_loop3A_111 = arith.cmpi sge, %parallel_loop3A_103, %parallel_loop3A_110 : vector<16xi32>
      %parallel_loop3A_112 = arith.andi %parallel_loop3A_108, %parallel_loop3A_111 : vector<16xi1>
      %parallel_loop3A_113 = arith.constant 511 : i32
      %parallel_loop3A_114 = vector.broadcast %parallel_loop3A_113 : i32 to vector<16xi32>
      %parallel_loop3A_115 = arith.andi %parallel_loop3A_99, %parallel_loop3A_114 : vector<16xi32>
      %parallel_loop3A_116 = tpu.vector_load_idx %arg7[%parallel_loop3A_115] : memref<512xf32, #tpu.memory_space<vmem>>[vector<16xi32>], vector<16xf32>,
      %parallel_loop3A_117 = arith.constant 99488 : i32
      %parallel_loop3A_118 = vector.broadcast %parallel_loop3A_117 : i32 to vector<16xi32>
      %parallel_loop3A_119 = arith.subi %parallel_loop3A_103, %parallel_loop3A_118 : vector<16xi32>
      %parallel_loop3A_120 = arith.constant 511 : i32
      %parallel_loop3A_121 = vector.broadcast %parallel_loop3A_120 : i32 to vector<16xi32>
      %parallel_loop3A_122 = arith.andi %parallel_loop3A_119, %parallel_loop3A_121 : vector<16xi32>
      %parallel_loop3A_123 = arith.mulf %parallel_loop3A_105, %parallel_loop3A_116 : vector<16xf32>
      tpu.vector_store_idx %arg8[%parallel_loop3A_122], %parallel_loop3A_123 masked %parallel_loop3A_112 {add = true} : memref<512xf32, #tpu.memory_space<vmem>>[vector<16xi32>], vector<16xf32>, vector<16xi1>
    } {sc.loop_unroll_factor = 6 : i64, sc.parallel_access}
    %eq3A = arith.constant 0 : i32
    %eq3A_91 = arith.cmpi eq, %add3A, %eq3A : i32
    %convert_element_type3A = arith.extui %eq3A_91 : i1 to i32
    %cond3A = arith.constant 0 : i32
    %cond3A_92 = arith.cmpi ne, %convert_element_type3A, %cond3A : i32
    scf.if %cond3A_92 {
      "tpu.region"() ({
        %run_scoped3A = tpu.sem_alloc : memref<!tpu.dma_semaphore, #tpu.memory_space<semaphore_mem>>
        %dma_start3A_98 = arith.constant 0 : i32
        %dma_start3A_99 = arith.constant 1597440 : i32
        %dma_start3A_100 = tpu.memref_slice %arg3[%dma_start3A_98, %dma_start3A_99] : memref<2x1600000xi32, #tpu.memory_space<hbm>> -> memref<2x2560xi32, #tpu.memory_space<hbm>>
        %dma_start3A_101 = arith.constant 0 : i32
        %dma_start3A_102 = arith.constant 1597440 : i32
        %dma_start3A_103 = tpu.memref_slice %arg3[%dma_start3A_101, %dma_start3A_102] : memref<2x1600000xi32, #tpu.memory_space<hbm>> -> memref<2x2560xi32, #tpu.memory_space<hbm>>
        tpu.enqueue_dma source(%dma_start3A_103 : memref<2x2560xi32, #tpu.memory_space<hbm>>) target(%arg13 : memref<2x2560xi32, #tpu.memory_space<vmem>>) target_semaphore(%run_scoped3A : memref<!tpu.dma_semaphore, #tpu.memory_space<semaphore_mem>>)
        %dma_wait3A_104 = arith.constant 0 : i32
        %dma_wait3A_105 = arith.constant 1597440 : i32
        %dma_wait3A_106 = tpu.memref_slice %arg3[%dma_wait3A_104, %dma_wait3A_105] : memref<2x1600000xi32, #tpu.memory_space<hbm>> -> memref<2x2560xi32, #tpu.memory_space<hbm>>
        %dma_wait3A_107 = arith.constant 0 : i32
        %dma_wait3A_108 = arith.constant 1597440 : i32
        %dma_wait3A_109 = tpu.memref_slice %arg3[%dma_wait3A_107, %dma_wait3A_108] : memref<2x1600000xi32, #tpu.memory_space<hbm>> -> memref<2x2560xi32, #tpu.memory_space<hbm>>
        tpu.wait_dma2 semaphore(%run_scoped3A : memref<!tpu.dma_semaphore, #tpu.memory_space<semaphore_mem>>) src(%dma_wait3A_109 : memref<2x2560xi32, #tpu.memory_space<hbm>>) dst(%arg13 : memref<2x2560xi32, #tpu.memory_space<vmem>>)
        tpu.yield
      }) : () -> ()
      "tpu.region"() ({
        %run_scoped3A = tpu.sem_alloc : memref<!tpu.dma_semaphore, #tpu.memory_space<semaphore_mem>>
        %dma_start3A_98 = arith.constant 1597440 : i32
        %dma_start3A_99 = tpu.memref_slice %arg4[%dma_start3A_98] : memref<1600000xf32, #tpu.memory_space<hbm>> -> memref<2560xf32, #tpu.memory_space<hbm>>
        %dma_start3A_100 = arith.constant 1597440 : i32
        %dma_start3A_101 = tpu.memref_slice %arg4[%dma_start3A_100] : memref<1600000xf32, #tpu.memory_space<hbm>> -> memref<2560xf32, #tpu.memory_space<hbm>>
        tpu.enqueue_dma source(%dma_start3A_101 : memref<2560xf32, #tpu.memory_space<hbm>>) target(%arg14 : memref<2560xf32, #tpu.memory_space<vmem>>) target_semaphore(%run_scoped3A : memref<!tpu.dma_semaphore, #tpu.memory_space<semaphore_mem>>)
        %dma_wait3A_102 = arith.constant 1597440 : i32
        %dma_wait3A_103 = tpu.memref_slice %arg4[%dma_wait3A_102] : memref<1600000xf32, #tpu.memory_space<hbm>> -> memref<2560xf32, #tpu.memory_space<hbm>>
        %dma_wait3A_104 = arith.constant 1597440 : i32
        %dma_wait3A_105 = tpu.memref_slice %arg4[%dma_wait3A_104] : memref<1600000xf32, #tpu.memory_space<hbm>> -> memref<2560xf32, #tpu.memory_space<hbm>>
        tpu.wait_dma2 semaphore(%run_scoped3A : memref<!tpu.dma_semaphore, #tpu.memory_space<semaphore_mem>>) src(%dma_wait3A_105 : memref<2560xf32, #tpu.memory_space<hbm>>) dst(%arg14 : memref<2560xf32, #tpu.memory_space<vmem>>)
        tpu.yield
      }) : () -> ()
      %parallel_loop3A_95 = arith.constant 0 : i32
      %parallel_loop3A_96 = arith.constant 2560 : i32
      %parallel_loop3A_97 = arith.constant 16 : i32
      scf.for %parallel_loop3A_98 = %parallel_loop3A_95 to %parallel_loop3A_96 step %parallel_loop3A_97  : i32 {
        %parallel_loop3A_99 = arith.constant 0 : i32
        %parallel_loop3A_100 = arith.index_cast %parallel_loop3A_99 : i32 to index
        %parallel_loop3A_101 = arith.index_cast %parallel_loop3A_98 : i32 to index
        %parallel_loop3A_102 = tpu.vector_load %arg13[%parallel_loop3A_100, %parallel_loop3A_101] {strides = array<i32>} : memref<2x2560xi32, #tpu.memory_space<vmem>>, vector<16xi32>,
        %parallel_loop3A_103 = arith.constant 1 : i32
        %parallel_loop3A_104 = arith.index_cast %parallel_loop3A_103 : i32 to index
        %parallel_loop3A_105 = arith.index_cast %parallel_loop3A_98 : i32 to index
        %parallel_loop3A_106 = tpu.vector_load %arg13[%parallel_loop3A_104, %parallel_loop3A_105] {strides = array<i32>} : memref<2x2560xi32, #tpu.memory_space<vmem>>, vector<16xi32>,
        %parallel_loop3A_107 = arith.index_cast %parallel_loop3A_98 : i32 to index
        %parallel_loop3A_108 = tpu.vector_load %arg14[%parallel_loop3A_107] {strides = array<i32>} : memref<2560xf32, #tpu.memory_space<vmem>>, vector<16xf32>,
        %parallel_loop3A_109 = arith.constant 512 : i32
        %parallel_loop3A_110 = vector.broadcast %parallel_loop3A_109 : i32 to vector<16xi32>
        %parallel_loop3A_111 = arith.cmpi slt, %parallel_loop3A_102, %parallel_loop3A_110 : vector<16xi32>
        %parallel_loop3A_112 = arith.constant 99488 : i32
        %parallel_loop3A_113 = vector.broadcast %parallel_loop3A_112 : i32 to vector<16xi32>
        %parallel_loop3A_114 = arith.cmpi sge, %parallel_loop3A_106, %parallel_loop3A_113 : vector<16xi32>
        %parallel_loop3A_115 = arith.andi %parallel_loop3A_111, %parallel_loop3A_114 : vector<16xi1>
        %parallel_loop3A_116 = arith.constant 511 : i32
        %parallel_loop3A_117 = vector.broadcast %parallel_loop3A_116 : i32 to vector<16xi32>
        %parallel_loop3A_118 = arith.andi %parallel_loop3A_102, %parallel_loop3A_117 : vector<16xi32>
        %parallel_loop3A_119 = tpu.vector_load_idx %arg7[%parallel_loop3A_118] : memref<512xf32, #tpu.memory_space<vmem>>[vector<16xi32>], vector<16xf32>,
        %parallel_loop3A_120 = arith.constant 99488 : i32
        %parallel_loop3A_121 = vector.broadcast %parallel_loop3A_120 : i32 to vector<16xi32>
        %parallel_loop3A_122 = arith.subi %parallel_loop3A_106, %parallel_loop3A_121 : vector<16xi32>
        %parallel_loop3A_123 = arith.constant 511 : i32
        %parallel_loop3A_124 = vector.broadcast %parallel_loop3A_123 : i32 to vector<16xi32>
        %parallel_loop3A_125 = arith.andi %parallel_loop3A_122, %parallel_loop3A_124 : vector<16xi32>
        %parallel_loop3A_126 = arith.mulf %parallel_loop3A_108, %parallel_loop3A_119 : vector<16xf32>
        tpu.vector_store_idx %arg8[%parallel_loop3A_125], %parallel_loop3A_126 masked %parallel_loop3A_115 {add = true} : memref<512xf32, #tpu.memory_space<vmem>>[vector<16xi32>], vector<16xf32>, vector<16xi1>
      } {sc.loop_unroll_factor = 5 : i64, sc.parallel_access}
      "tpu.region"() ({
        %run_scoped3A = tpu.sem_alloc : memref<!tpu.dma_semaphore, #tpu.memory_space<semaphore_mem>>
        %dma_start3A_98 = arith.constant 99488 : i32
        %dma_start3A_99 = tpu.memref_slice %arg5[%dma_start3A_98] : memref<100000xf32, #tpu.memory_space<hbm>> -> memref<512xf32, #tpu.memory_space<hbm>>
        %dma_start3A_100 = arith.constant 99488 : i32
        %dma_start3A_101 = tpu.memref_slice %arg5[%dma_start3A_100] : memref<100000xf32, #tpu.memory_space<hbm>> -> memref<512xf32, #tpu.memory_space<hbm>>
        tpu.enqueue_dma source(%dma_start3A_101 : memref<512xf32, #tpu.memory_space<hbm>>) target(%arg7 : memref<512xf32, #tpu.memory_space<vmem>>) target_semaphore(%run_scoped3A : memref<!tpu.dma_semaphore, #tpu.memory_space<semaphore_mem>>)
        %dma_wait3A_102 = arith.constant 99488 : i32
        %dma_wait3A_103 = tpu.memref_slice %arg5[%dma_wait3A_102] : memref<100000xf32, #tpu.memory_space<hbm>> -> memref<512xf32, #tpu.memory_space<hbm>>
        %dma_wait3A_104 = arith.constant 99488 : i32
        %dma_wait3A_105 = tpu.memref_slice %arg5[%dma_wait3A_104] : memref<100000xf32, #tpu.memory_space<hbm>> -> memref<512xf32, #tpu.memory_space<hbm>>
        tpu.wait_dma2 semaphore(%run_scoped3A : memref<!tpu.dma_semaphore, #tpu.memory_space<semaphore_mem>>) src(%dma_wait3A_105 : memref<512xf32, #tpu.memory_space<hbm>>) dst(%arg7 : memref<512xf32, #tpu.memory_space<vmem>>)
        tpu.yield
      }) : () -> ()
      "tpu.region"() ({
        %run_scoped3A = tpu.sem_alloc : memref<!tpu.dma_semaphore, #tpu.memory_space<semaphore_mem>>
        %dma_start3A_98 = arith.constant 16384 : i32
        %dma_start3A_99 = tpu.memref_slice %arg6[%dma_start3A_98] : memref<16896xf32, #tpu.memory_space<hbm>> -> memref<512xf32, #tpu.memory_space<hbm>>
        %dma_start3A_100 = arith.constant 16384 : i32
        %dma_start3A_101 = tpu.memref_slice %arg6[%dma_start3A_100] : memref<16896xf32, #tpu.memory_space<hbm>> -> memref<512xf32, #tpu.memory_space<hbm>>
        tpu.enqueue_dma source(%arg7 : memref<512xf32, #tpu.memory_space<vmem>>) target(%dma_start3A_101 : memref<512xf32, #tpu.memory_space<hbm>>) target_semaphore(%run_scoped3A : memref<!tpu.dma_semaphore, #tpu.memory_space<semaphore_mem>>)
        %dma_wait3A_102 = arith.constant 16384 : i32
        %dma_wait3A_103 = tpu.memref_slice %arg6[%dma_wait3A_102] : memref<16896xf32, #tpu.memory_space<hbm>> -> memref<512xf32, #tpu.memory_space<hbm>>
        %dma_wait3A_104 = arith.constant 16384 : i32
        %dma_wait3A_105 = tpu.memref_slice %arg6[%dma_wait3A_104] : memref<16896xf32, #tpu.memory_space<hbm>> -> memref<512xf32, #tpu.memory_space<hbm>>
        tpu.wait_dma2 semaphore(%run_scoped3A : memref<!tpu.dma_semaphore, #tpu.memory_space<semaphore_mem>>) src(%arg7 : memref<512xf32, #tpu.memory_space<vmem>>) dst(%dma_wait3A_105 : memref<512xf32, #tpu.memory_space<hbm>>)
        tpu.yield
      }) : () -> ()
    } else {
    }
    %mul3A_93 = arith.constant 512 : i32
    %mul3A_94 = arith.muli %add3A, %mul3A_93 : i32
    "tpu.region"() ({
      %run_scoped3A = tpu.sem_alloc : memref<!tpu.dma_semaphore, #tpu.memory_space<semaphore_mem>>
      %dma_start3A_95 = tpu.memref_slice %arg6[%mul3A_94] : memref<16896xf32, #tpu.memory_space<hbm>> -> memref<512xf32, #tpu.memory_space<hbm>>
      %dma_start3A_96 = tpu.memref_slice %arg6[%mul3A_94] : memref<16896xf32, #tpu.memory_space<hbm>> -> memref<512xf32, #tpu.memory_space<hbm>>
      tpu.enqueue_dma source(%arg8 : memref<512xf32, #tpu.memory_space<vmem>>) target(%dma_start3A_96 : memref<512xf32, #tpu.memory_space<hbm>>) target_semaphore(%run_scoped3A : memref<!tpu.dma_semaphore, #tpu.memory_space<semaphore_mem>>)
      %dma_wait3A_97 = tpu.memref_slice %arg6[%mul3A_94] : memref<16896xf32, #tpu.memory_space<hbm>> -> memref<512xf32, #tpu.memory_space<hbm>>
      %dma_wait3A_98 = tpu.memref_slice %arg6[%mul3A_94] : memref<16896xf32, #tpu.memory_space<hbm>> -> memref<512xf32, #tpu.memory_space<hbm>>
      tpu.wait_dma2 semaphore(%run_scoped3A : memref<!tpu.dma_semaphore, #tpu.memory_space<semaphore_mem>>) src(%arg8 : memref<512xf32, #tpu.memory_space<vmem>>) dst(%dma_wait3A_98 : memref<512xf32, #tpu.memory_space<hbm>>)
      tpu.yield
    }) : () -> ()
    return
  }
}

module attributes {stable_mosaic.version = 14 : i64} {
  func.func @_combine_body(%arg0: memref<33x512xf32, #tpu.memory_space<vmem>>, %arg1: memref<1x512xf32, #tpu.memory_space<vmem>>) attributes {dimension_semantics = [], scalar_prefetch = 0 : i64, scratch_operands = 0 : i64, tpu.core_type = #tpu.core_type<tc>} {
    %get3A = arith.constant 0 : index
    %get3A_0 = arith.constant 0 : index
    %get3A_1 = vector.load %arg0[%get3A, %get3A_0] : memref<33x512xf32, #tpu.memory_space<vmem>>, vector<33x512xf32>
    %reduce_sum3A = arith.constant dense<0.000000e+00> : vector<512xf32>
    %reduce_sum3A_2 = vector.multi_reduction <add>, %get3A_1, %reduce_sum3A [0] : vector<33x512xf32> to vector<512xf32>
    %broadcast_in_dim3A = vector.shape_cast %reduce_sum3A_2 : vector<512xf32> to vector<1x512xf32>
    %tanh3A = math.tanh %broadcast_in_dim3A : vector<1x512xf32>
    %swap3A = arith.constant 0 : index
    %swap3A_3 = arith.constant 0 : index
    %swap3A_4 = vector.load %arg1[%swap3A, %swap3A_3] : memref<1x512xf32, #tpu.memory_space<vmem>>, vector<1x512xf32>
    tpu.vector_store %arg1[%swap3A, %swap3A_3], %tanh3A {strides = array<i32>} : memref<1x512xf32, #tpu.memory_space<vmem>>, vector<1x512xf32>,
    return
  }
}

</mosaic_0001>

<sc_bundles>
// kernel: kernel.4.cloned.1.call-start
scs
__scs_entry_jumppad:
0x0: {  	(pc) =	sbr.rel $0x88, $3  }
0x1: {  	(tag) =	ssettag $0x0;
	lr =	simm.s32 $0x1  }
0x2: {  	[smem:$0x3F9D] =	sst lr;
	_ =	strace $0xD0000000  }
0x3: {  	_ = 	snop  }
0x4: {  	_ = 	snop  }
0x5: {  	_ = 	snop  }
0x6: {  	_ = 	snop  }
0x7: {  	_ = 	snop  }
__scs_overlays_trampoline_lowered:
0x8: {  	[smem:$0x3FAC] =	sst s0  }
0x9: {  	[smem:$0x3FAD] =	sst s1  }
0xa: {  	[smem:$0x3FAE] =	sst s2  }
0xb: {  	[smem:$0x3FAF] =	sst s3  }
0xc: {  	[smem:$0x3FB0] =	sst s4  }
0xd: {  	[smem:$0x3FB1] =	sst s5  }
0xe: {  	[smem:$0x3FB2] =	sst s6  }
0xf: {  	[smem:$0x3FB3] =	sst s7  }
0x10: {  	[smem:$0x3FB4] =	sst s8  }
0x11: {  	[smem:$0x3FB5] =	sst s9;
	s0 =	simm.s32 @!p0 $0x0  }
0x12: {  	s1 =	sld [smem:$0x3F9B];
	s0 =	simm.s32 @p0 $0x1  }
0x13: {  	[smem:$0x3FB6] =	sst s0;
	s0 =	simm.s32 @!p1 $0x0  }
0x14: {  	s2 =	sld [smem:$0x3F9A];
	s0 =	simm.s32 @p1 $0x1  }
0x15: {  	[smem:$0x3FB7] =	sst s0;
	s0 =	simm.s32 @!p2 $0x0  }
0x16: {  	s3 =	sld [smem:$0x3FDB];
	s0 =	simm.s32 @p2 $0x1  }
0x17: {  	s4 =	simm.s32 $0x1BF5;
	[smem:$0x3FB9] =	sst s0  }
0x18: {  	s0 =	sld [smem:$0x3F9C];
	_ =	swait.ge [sflag:s4], $0x0  }
0x19: {  	s7 =	sld [smem:$0x3F9D]  }
0x1a: {  	s8 =	sadd.s32 $0xFFFFE003, lr  }
0x1b: {  	s9 =	sadd.s32 $0xFFFFFEF7, lr;
	s5 =	simm.s32 $0xFFFFFFFF;
	p2 =	slt.u32 s8, $0xFFFFF086  }
0x1c: {  	p1 =	slt.u32 s9, $0xF7A;
	s5 =	simm.s32 @!p2 $0x0  }
0x1d: {  	s5 =	simm.s32 @p1 $0x1;
	p0 =	seq.s32 s7, s2  }
0x1e: {  	s7 =	smul.u32 @!p0 $0xF7A, s2;
	p2 =	seq.s32 @!p0 s5, $0x0  }
0x1f: {  	s9 =	smul.u32 $0xF7A, s1;
	s8 =	simm.s32 @!p0 $0x1BF5;
	p2 =	por !p2, p0  }
0x20: {  	[sflag:s8] =	ssyncset.s32 @!p0 $0xFFFFF086;
	s6 =	sadd.s32 @!p0 s3, s7;
	s7 =	simm.s32 @!p0 $0x108  }
0x21: {  	s3 =	sadd.s32 s3, s9;
	s6 =	sadd.s32 @!p0 $0x88, s6;
	s7 =	simm.s32 @p2 $0x1082  }
0x22: {  	[simem:s7], [sflag:s8] =	dma.local @!p0 [hbm:s6], $0xF7A  }
0x23: {  	s9 =	sor.u32 $0xD0000000, s2;
	s6 =	simm.s32 $0x108;
	_ =	swait.ge @!p0 [sflag:s8], $0x0  }
0x24: {  	s3 =	sadd.s32 $0x88, s3;
	s6 =	simm.s32 @!p1 $0x1082;
	[sflag:s4] =	ssyncset.s32 $0xFFFFF086  }
0x25: {  	[simem:s6], [sflag:s4] =	dma.local [hbm:s3], $0xF7A  }
0x26: {  	[smem:$0x3F9D] =	sst s1;
	(tag) =	ssettag s2;
	_ =	strace s9  }
0x27: {  	s1 =	sld [smem:$0x3FAD]  }
0x28: {  	s2 =	sld [smem:$0x3FAE]  }
0x29: {  	s4 =	sld [smem:$0x3FB0]  }
0x2a: {  	p0 =	seq.s32 s5, $0x0;
	s5 =	sld [smem:$0x3FB1]  }
0x2b: {  	s6 =	sld [smem:$0x3FB2]  }
0x2c: {  	s7 =	sld [smem:$0x3FB3]  }
0x2d: {  	s3 =	simm.s32 $0x108;
	s8 =	sld [smem:$0x3FB4]  }
0x2e: {  	s3 =	simm.s32 @!p0 $0x1082;
	s9 =	sld [smem:$0x3FB5]  }
0x2f: {  	lr =	sadd.s32 s0, s3;
	s0 =	sld [smem:$0x3FAC]  }
0x30: {  	s3 =	sld [smem:$0x3FAF]  }
0x31: {  	[smem:$0x3FB8] =	sst s10  }
0x32: {  	s10 =	sld [smem:$0x3FB6];
	_ =	sdelay $0x3  }
0x33: {  	p0 =	seq.s32 s10, $0x1;
	s10 =	sld [smem:$0x3FB8];
	_ =	sdelay $0x3  }
0x34: {  	[smem:$0x3FB8] =	sst s10  }
0x35: {  	s10 =	sld [smem:$0x3FB7];
	_ =	sdelay $0x3  }
0x36: {  	p1 =	seq.s32 s10, $0x1;
	s10 =	sld [smem:$0x3FB8];
	_ =	sdelay $0x3  }
0x37: {  	[smem:$0x3FB8] =	sst s10  }
0x38: {  	s10 =	sld [smem:$0x3FB9]  }
0x39: {  	_ = 	snop;
	(pc) =	sbr.ind lr, $3  }
0x3a: {  	_ = 	snop  }
0x3b: {  	_ = 	snop  }
0x3c: {  	p2 =	seq.s32 s10, $0x1;
	s10 =	sld [smem:$0x3FB8]  }
0x3d: {  	_ =	shalt  }
0x3e: {  	_ =	shalt  }
0x3f: {  	_ =	shalt  }
0x40: {  	_ =	shalt  }
0x41: {  	_ =	shalt  }
0x42: {  	_ =	shalt  }
0x43: {  	_ =	shalt  }
0x44: {  	_ =	shalt  }
0x45: {  	_ =	shalt  }
0x46: {  	_ =	shalt  }
0x47: {  	_ =	shalt  }
0x48: {  	_ =	shalt  }
0x49: {  	_ =	shalt  }
0x4a: {  	_ =	shalt  }
0x4b: {  	_ =	shalt  }
0x4c: {  	_ =	shalt  }
0x4d: {  	_ =	shalt  }
0x4e: {  	_ =	shalt  }
0x4f: {  	_ =	shalt  }
0x50: {  	_ =	shalt  }
0x51: {  	_ =	shalt  }
0x52: {  	_ =	shalt  }
0x53: {  	_ =	shalt  }
0x54: {  	_ =	shalt  }
0x55: {  	_ =	shalt  }
0x56: {  	_ =	shalt  }
0x57: {  	_ =	shalt  }
0x58: {  	_ =	shalt  }
0x59: {  	_ =	shalt  }
0x5a: {  	_ =	shalt  }
0x5b: {  	_ =	shalt  }
0x5c: {  	_ =	shalt  }
0x5d: {  	_ =	shalt  }
0x5e: {  	_ =	shalt  }
0x5f: {  	_ =	shalt  }
0x60: {  	_ =	shalt  }
0x61: {  	_ =	shalt  }
0x62: {  	_ =	shalt  }
0x63: {  	_ =	shalt  }
0x64: {  	_ =	shalt  }
0x65: {  	_ =	shalt  }
0x66: {  	_ =	shalt  }
0x67: {  	_ =	shalt  }
0x68: {  	_ =	shalt  }
0x69: {  	_ =	shalt  }
0x6a: {  	_ =	shalt  }
0x6b: {  	_ =	shalt  }
0x6c: {  	_ =	shalt  }
0x6d: {  	_ =	shalt  }
0x6e: {  	_ =	shalt  }
0x6f: {  	_ =	shalt  }
0x70: {  	_ =	shalt  }
0x71: {  	_ =	shalt  }
0x72: {  	_ =	shalt  }
0x73: {  	_ =	shalt  }
0x74: {  	_ =	shalt  }
0x75: {  	_ =	shalt  }
0x76: {  	_ =	shalt  }
0x77: {  	_ =	shalt  }
0x78: {  	_ =	shalt  }
0x79: {  	_ =	shalt  }
0x7a: {  	_ =	shalt  }
0x7b: {  	_ =	shalt  }
0x7c: {  	_ =	shalt  }
0x7d: {  	_ =	shalt  }
0x7e: {  	_ =	shalt  }
0x7f: {  	_ =	shalt  }
0x80: {  	_ =	shalt  }
0x81: {  	_ =	shalt  }
0x82: {  	_ =	shalt  }
0x83: {  	_ =	shalt  }
0x84: {  	_ =	shalt  }
0x85: {  	_ =	shalt  }
0x86: {  	_ =	shalt  }
0x87: {  	_ =	shalt  }
.Lfunc_end0:
.L_simem_size_0:
called_computation_lowered:
.L_overlay_start_0:
0x88: {  	s2 =	sld [smem:$0x3FD9]  }
0x89: {  	s3 =	sld [smem:$0x3FFE];
	_ =	sdelay $0x1  }
0x8a: {  	s1 =	srdreg.scid  }
0x8b: {  	s0 =	sand.u32 $0x1, s1  }
0x8c: {  	s17 =	sshll.u32 s0, $0xA;
	s2 =	sadd.s32 s3, s2  }
0x8d: {  	s2 =	sadd.s32 s2, s17  }
0x8e: {  	[smem:$0x3FC4] =	sst s2  }
0x8f: {  	_ = 	snop  }
0x90: {  	s2 =	sld [smem:$0x3FC9]  }
0x91: {  	s18 =	sld [smem:$0x3FC8]  }
0x92: {  	s4 =	sld [smem:$0x3FC7]  }
0x93: {  	s5 =	sld [smem:$0x3FC6];
	(tm) =	ssettm $0x1  }
0x94: {  	s6 =	sld [smem:$0x3FFB];
	_ =	sdelay $0x3  }
0x95: {  	_ =	strace s6  }
0x96: {  	s6 =	sld [smem:$0x3FFC];
	_ =	sdelay $0x3  }
0x97: {  	_ =	strace s6  }
0x98: {  	s6 =	sld [smem:$0x3FFD];
	_ =	sdelay $0x3  }
0x99: {  	_ =	strace s6  }
0x9a: {  	_ =	strace $0x8FFFFFFF  }
0x9b: {  	s19 =	sld [smem:$0x3FDB];
	_ =	sdelay $0x1  }
0x9c: {  	s7 =	simm.s32 $_scs_section_size  }
0x9d: {  	s8 =	simm.s32 $_size__tile_overlayer_lowered;
	s9 =	simm.s32 $_tile_overlayer_lowered  }
0x9e: {  	s22 =	simm.s32 $0x1BFF;
	s21 =	sshll.u32 s9, $0x1;
	s6 =	sadd.s32 s7, s19  }
0x9f: {  	s10 =	simm.s32 $0x0;
	s20 =	sshll.u32 s8, $0x1;
	s8 =	sadd.s32 s21, s6  }
0xa0: {  	[timem:s10], [sflag:s22] =	dma.local [hbm:s8], s20  }
0xa1: {  	_ =	swait.ge [sflag:s22], s20  }
0xa2: {  	s7 =	ssub.s32 $0x0, s20;
	[sflag:s22] =	ssyncset.done $0x0  }
0xa3: {  	[sflag:s22] =	ssyncadd.s32 s7;
	_ =	sdelay $0x1  }
0xa4: {  	s23 =	simm.s32 $0x1B8B  }
0xa5: {  	_ =	swait.ge [sflag:s23], $0x1  }
0xa6: {  	[sflag:s23] =	ssyncset.done $0x0  }
0xa7: {  	s25 =	simm.s32 $0x1B8E;
	s24 =	sld [smem:$0x3FFE];
	[sflag:s23] =	ssyncadd.s32 $0xFFFFFFFF  }
0xa8: {  	s26 =	simm.s32 $execute0_lowered;
	[smem:$0x3FD2] =	sst s25  }
0xa9: {  	s8 =	sshll.u32 s26, $0x1;
	_ =	strace $0x80000046;
	[dreg:$0x1] =	wrdreg $0xFFFFFFFF  }
0xaa: {  	s28 =	simm.s32 $_size_execute0_lowered;
	s6 =	sadd.s32 s6, s8;
	[dreg:$0x0] =	wrdreg $0x0  }
0xab: {  	s8 =	sshll.u32 s28, $0x1;
	[dreg:$0x2] =	wrdreg s6  }
0xac: {  	[dreg:$0x3] =	wrdreg s8  }
0xad: {  	[dreg:$0x4] =	wrdreg $0xC0  }
0xae: {  	_ =	task [dreg:s10], $0x5FFFF  }
0xaf: {  	[dreg:$0x1] =	wrdreg $0xFFFFFFFF  }
0xb0: {  	[dreg:$0x0] =	wrdreg $0x60  }
0xb1: {  	[dreg:$0x2] =	wrdreg s2  }
0xb2: {  	[dreg:$0x3] =	wrdreg s18  }
0xb3: {  	[dreg:$0x4] =	wrdreg s4  }
0xb4: {  	[dreg:$0x5] =	wrdreg s5  }
0xb5: {  	[dreg:$0x6] =	wrdreg s24  }
0xb6: {  	[dreg:$0x7] =	wrdreg $0x9  }
0xb7: {  	_ =	task.clear_ibuf [dreg:s10], $0x8FFFF;
	_ =	strace $0x90000046  }
0xb8: {  	s29 =	simm.s32 $0x9;
	_ =	strace $0x80000048  }
0xb9: {  	_ =	swait.ge [sflag:s29], $0x1  }
0xba: {  	[sflag:s29] =	ssyncadd.s32 $0xFFFFFFFF  }
0xbb: {  	_ =	strace $0x90000048  }
0xbc: {  	_ =	sfence  }
0xbd: {  	s30 =	sld [smem:$0x0];
	_ =	sdelay $0x2  }
0xbe: {  	s31 =	sshll.u32 s1, $0xD;
	s1 =	sshrl.u32 s1, $0x2  }
0xbf: {  	s3 =	sand.u32 $0x4000, s31;
	s1 =	sadd.s32 s1, s30  }
0xc0: {  	s0 =	sor.u32 s3, s0;
	s1 =	sshll.u32 s1, $0x11  }
0xc1: {  	s0 =	sor.u32 s1, s0  }
0xc2: {  	s0 =	sadd.s32 $0x8F2B, s0  }
0xc3: {  	[sflag:s0] =	ssyncadd.remote.s32 $0x1  }
0xc4: {  	_ =	sfence.sel $0xFFFF  }
0xc5: {  	[dreg:$0x0] =	wrdreg $0xFFFFFFFF;
	(pc) =	sbr.abs _section_cstart, $3  }
0xc6: {  	[dreg:$0x1] =	wrdreg $0xFFFFFFFF  }
0xc7: {  	_ =	task.clear_ibuf [dreg:s10], $0x2FFFF;
	_ =	strace $0x9FFFFFFF  }
0xc8: {  	(tm) =	ssettm $0x7FFFFFFF  }
0xc9: {  	_ =	shalt  }
tec
execute0_lowered:
.L_overlay_start_1:
0x0: {  	(tag) =	ssettag $0x1  }
0x1: {  	s0 =	rddreg [dreg:$0x1]  }
0x2: {  	s2 =	rddreg [dreg:$0x2]  }
0x3: {  	s16 =	rddreg [dreg:$0x3]  }
0x4: {  	s17 =	rddreg [dreg:$0x4]  }
0x5: {  	s3 =	simm.s32 $0x0;
	s4 =	srdreg.scid;
	s1 =	stileid.u32  }
0x6: {  	s28 =	simm.s32 $0x2;
	s31 =	simm.s32 $0x0;
	[smem:$0x7FF] =	sst s3  }
0x7: {  	s4 =	sand.u32 $0x1, s4;
	s5 =	sshll.u32 s1, $0x1;
	s26 =	sadd.s32 $0x30C00, s2  }
0x8: {  	s29 =	sadd.s32 $0x3094, s16;
	_ =	strace $0x80000047;
	[dreg:$0xa] =	wrdreg s26  }
0x9: {  	s30 =	sadd.s32 $0xC00, s17;
	s25 =	sor.u32 s4, s5;
	[dreg:$0xb] =	wrdreg s29  }
0xa: {  	s4 =	ssub.s32 $0x2, s4;
	[dreg:$0xc] =	wrdreg s30;
	s26 =	simm.s32 $0x200  }
0xb: {  	s5 =	sshll.u32 s25, $0x6;
	s11 =	smul.u32 $0xC300, s25;
	s19 =	sshrl.u32 s4, $0x1  }
0xc: {  	s6 =	smul.u32 $0x30C0, s25;
	p0 =	sne.s32 s25, $0x0;
	s25 =	simm.s32 $0x1  }
0xd: {  	s18 =	sadd.s32 s5, s17;
	s19 =	ssub.s32 s4, s19;
	s20 =	sshrl.u32 s11, $0x3  }
0xe: {  	s7 =	sadd.s32 $0x2700, s11;
	s21 =	sadd.s32 s0, s6;
	s9 =	sadd.s32 $0x4E00, s11  }
0xf: {  	s12 =	sadd.s32 $0x7500, s11;
	s11 =	sadd.s32 $0x9C00, s11;
	s18 =	sadd.s32 $0x400, s18  }
0x10: {  	s19 =	smax.u32 s19, $0x1;
	[dreg:$0x6] =	wrdreg s21;
	s22 =	sadd.s32 s2, s20  }
0x11: {  	s23 =	sshrl.u32 s7, $0x2;
	s7 =	sshrl.u32 s7, $0x3;
	s8 =	sshrl.u32 s9, $0x2  }
0x12: {  	s9 =	sshrl.u32 s9, $0x3;
	s10 =	sshrl.u32 s12, $0x2;
	s12 =	sshrl.u32 s12, $0x3  }
0x13: {  	s13 =	sshrl.u32 s11, $0x2;
	s14 =	sshrl.u32 s11, $0x3;
	s20 =	simm.s32 $0x3  }
.Ltmp0:
0x14: {  	s21 =	simm.s32 $0x400;
	[dreg:$0x7] =	wrdreg s22;
	(pc) =	sbr.rel .LBB2_1-.Ltmp0, $4  }
0x15: {  	s24 =	sadd.s32 s0, s23;
	s7 =	sadd.s32 s2, s7;
	s8 =	sadd.s32 s0, s8  }
0x16: {  	s9 =	sadd.s32 s2, s9;
	s10 =	sadd.s32 s0, s10;
	s11 =	sadd.s32 s2, s12  }
0x17: {  	s12 =	sadd.s32 s0, s13;
	s0 =	sadd.s32 $0x61800, s0;
	[dreg:$0x8] =	wrdreg s24  }
0x18: {  	v0 =	vimm.f32 $0.0e+00;
	s13 =	sadd.s32 s2, s14;
	s22 =	simm.s32 $0xA000;
	[dreg:$0x9] =	wrdreg s0  }
.LBB2_14:
0x19: {  	_ = 	snop  }
0x1a: {  	v14 =	vld [tilespmem:s29+$0xFFFFFFF0]  }
0x1b: {  	v15 =	vld [tilespmem:s29+$0x0];
	vm6 =	vgt.s32 v12, $0x1849F  }
0x1c: {  	v16 =	vld [tilespmem:s29+$0x10];
	vm5 =	vmmov vm5;
	vm3 =	vmand vm3, vm6  }
0x1d: {  	v63 =	vadd.s32 $0x160, v12;
	vm3 =	vmmov vm3  }
0x1e: {  	v8 =	vmul.f32 v8, v13;
	[tilespmem:v1+s26+$0x0] =	vst.idx.add.f32.msk vm1, v3;
	v12 =	vand.u32 $0x1FF, v63  }
0x1f: {  	[tilespmem:v2+s26+$0x0] =	vst.idx.add.f32.msk vm0, v4;
	v1 =	vmul.f32 v5, v14  }
0x20: {  	[tilespmem:v10+s26+$0x0] =	vst.idx.add.f32.msk vm4, v8;
	v2 =	vmul.f32 v6, v15  }
0x21: {  	[tilespmem:v9+s26+$0x0] =	vst.idx.add.f32.msk vm2, v1;
	v1 =	vmul.f32 v7, v16  }
0x22: {  	[tilespmem:v11+s26+$0x0] =	vst.idx.add.f32.msk vm5, v2  }
0x23: {  	[tilespmem:v12+s26+$0x0] =	vst.idx.add.f32.msk vm3, v1  }
0x24: {  	s0 =	rddreg [dreg:$0xb]  }
0x25: {  	[tilespmem:s3], [sflag:$0x3] =	stream.linear.gather [hbm4b:s0+s3], $0x200, $0x38;
	[tilespmem:$0x10C00] =	vst v63  }
0x26: {  	_ =	swait.ge [sflag:s20], $0x200  }
0x27: {  	[sflag:s20] =	ssyncset.done $0x0  }
0x28: {  	s30 =	rddreg [dreg:$0xc];
	[sflag:s20] =	ssyncadd.s32 $0xFFFFFE00  }
0x29: {  	[hbm4b:s30+s3] =	stream.linear.scatter [tilespmem:s3], [sflag:$0x3], $0x200, $0x38;
	[tilespmem:$0x10C00] =	vst v63  }
0x2a: {  	_ =	swait.ge [sflag:s20], $0x200  }
0x2b: {  	[sflag:s20] =	ssyncset.done $0x0  }
0x2c: {  	[sflag:s20] =	ssyncadd.s32 $0xFFFFFE00  }
.LBB2_15:
0x2d: {  	s31 =	sadd.s32 $0x1, s31  }
0x2e: {  	p1 =	sne.s32 s31, s19  }
.Ltmp1:
0x2f: {  	_ = 	snop;
	(pc) =	sbr.rel @!p1 .LBB2_16-.Ltmp1, $4  }
0x30: {  	[hbm4b:s18+s3] =	stream.linear.scatter [tilespmem:s26], [sflag:$0x3], $0x200, $0x38;
	[tilespmem:$0x10C00] =	vst v63  }
0x31: {  	_ =	swait.ge [sflag:s20], $0x200  }
0x32: {  	[sflag:s20] =	ssyncset.done $0x0  }
0x33: {  	[sflag:s20] =	ssyncadd.s32 $0xFFFFFE00  }
.LBB2_1:
0x34: {  	s0 =	rddreg [dreg:$0x0]  }
0x35: {  	[tilespmem:s3], [sflag:$0x3] =	stream.linear.gather [hbm4b:s0+s3], $0x200, $0x38;
	[tilespmem:$0x10C00] =	vst v63  }
0x36: {  	_ =	swait.ge [sflag:s20], $0x200  }
0x37: {  	[sflag:s20] =	ssyncset.done $0x0  }
0x38: {  	[sflag:s20] =	ssyncadd.s32 $0xFFFFFE00  }
0x39: {  	[tilespmem:$0x200] =	vst v0  }
0x3a: {  	[tilespmem:$0x210] =	vst v0  }
0x3b: {  	[tilespmem:$0x220] =	vst v0  }
0x3c: {  	[tilespmem:$0x230] =	vst v0  }
0x3d: {  	[tilespmem:$0x240] =	vst v0  }
0x3e: {  	[tilespmem:$0x250] =	vst v0  }
0x3f: {  	[tilespmem:$0x260] =	vst v0  }
0x40: {  	[tilespmem:$0x270] =	vst v0  }
0x41: {  	[tilespmem:$0x280] =	vst v0  }
0x42: {  	[tilespmem:$0x290] =	vst v0  }
0x43: {  	[tilespmem:$0x2A0] =	vst v0  }
0x44: {  	[tilespmem:$0x2B0] =	vst v0  }
0x45: {  	[tilespmem:$0x2C0] =	vst v0  }
0x46: {  	[tilespmem:$0x2D0] =	vst v0  }
0x47: {  	[tilespmem:$0x2E0] =	vst v0  }
0x48: {  	[tilespmem:$0x2F0] =	vst v0  }
0x49: {  	[tilespmem:$0x300] =	vst v0  }
0x4a: {  	[tilespmem:$0x310] =	vst v0  }
0x4b: {  	[tilespmem:$0x320] =	vst v0  }
0x4c: {  	[tilespmem:$0x330] =	vst v0  }
0x4d: {  	[tilespmem:$0x340] =	vst v0  }
0x4e: {  	[tilespmem:$0x350] =	vst v0  }
0x4f: {  	[tilespmem:$0x360] =	vst v0  }
0x50: {  	[tilespmem:$0x370] =	vst v0  }
0x51: {  	[tilespmem:$0x380] =	vst v0  }
0x52: {  	[tilespmem:$0x390] =	vst v0  }
0x53: {  	[tilespmem:$0x3A0] =	vst v0  }
0x54: {  	[tilespmem:$0x3B0] =	vst v0  }
0x55: {  	[tilespmem:$0x3C0] =	vst v0  }
0x56: {  	[tilespmem:$0x3D0] =	vst v0  }
0x57: {  	[tilespmem:$0x3E0] =	vst v0  }
0x58: {  	s17 =	rddreg [dreg:$0x6];
	[tilespmem:$0x3F0] =	vst v0  }
0x59: {  	[tilespmem:s21], [sflag:$0x1] =	stream.linear.gather [hbm4b:s17+s3], $0x4E00, $0x38;
	[tilespmem:$0x10C00] =	vst v63  }
0x5a: {  	s23 =	rddreg [dreg:$0x7]  }
0x5b: {  	[tilespmem:s22], [sflag:$0x1] =	stream.linear.gather [hbm4b:s23+s3], $0x2700, $0x38;
	[tilespmem:$0x10C00] =	vst v63  }
0x5c: {  	s1 =	simm.s32 $0x5200;
	s24 =	rddreg [dreg:$0x8]  }
0x5d: {  	[tilespmem:s1], [sflag:$0x2] =	stream.linear.gather [hbm4b:s24+s3], $0x4E00, $0x38;
	[tilespmem:$0x10C00] =	vst v63  }
0x5e: {  	s30 =	simm.s32 $0xC700  }
0x5f: {  	[tilespmem:s30], [sflag:$0x2] =	stream.linear.gather [hbm4b:s7+s3], $0x2700, $0x38;
	[tilespmem:$0x10C00] =	vst v63  }
0x60: {  	_ =	swait.ge [sflag:s25], $0x4E00  }
0x61: {  	[sflag:s25] =	ssyncset.done $0x0  }
0x62: {  	[sflag:s25] =	ssyncadd.s32 $0xFFFFB200  }
0x63: {  	s2 =	simm.s32 $0xA030;
	_ =	swait.ge [sflag:s25], $0x2700  }
0x64: {  	s29 =	sand.u32 $0x7F00, s3;
	s14 =	simm.s32 $0x60;
	[sflag:s25] =	ssyncset.done $0x0  }
0x65: {  	s0 =	simm.s32 $0x0;
	s30 =	simm.s32 $0x30;
	[sflag:s25] =	ssyncadd.s32 $0xFFFFD900  }
0x66: {  	s14 =	sand.u32 $0xFF00, s14;
	s15 =	sand.u32 $0x60, s0;
	s30 =	sand.u32 $0x70, s30;
	v1 =	vld [tilespmem:s2+$0x10]  }
0x67: {  	s29 =	sadd.s32 $0x400, s29;
	s16 =	sor.u32 $0x10, s15;
	s14 =	sor.u32 s30, s14;
	v2 =	vld [tilespmem:s2+$0x0]  }
0x68: {  	s4 =	sor.u32 s16, s29;
	s17 =	simm.s32 $0x50;
	s1 =	simm.s32 $0xA0;
	v3 =	vld [tilespmem:s14+$0x480]  }
0x69: {  	s15 =	sor.u32 s15, s29;
	s17 =	sand.u32 $0x70, s17;
	s29 =	sand.u32 $0xFF00, s1;
	v4 =	vld [tilespmem:s4+$0x80]  }
0x6a: {  	s17 =	sor.u32 s17, s29;
	v5 =	vld [tilespmem:s15+$0x0]  }
0x6b: {  	s5 =	simm.s32 $0x40;
	s29 =	simm.s32 $0x20;
	v6 =	vld [tilespmem:s17+$0x480]  }
0x6c: {  	s29 =	sand.u32 $0x60, s29;
	s30 =	sand.u32 $0xFF00, s5;
	v7 =	vld [tilespmem:s14+$0x400]  }
0x6d: {  	s6 =	sor.u32 s29, s30;
	v8 =	vld [tilespmem:s4+$0x0]  }
0x6e: {  	v9 =	vld [tilespmem:s6+$0x480]  }
0x6f: {  	s23 =	simm.s32 $0x80;
	s29 =	simm.s32 $0x40;
	v10 =	vld [tilespmem:s15+$0x80]  }
0x70: {  	s1 =	sand.u32 $0xFF00, s23;
	s24 =	sand.u32 $0x60, s29;
	v12 =	vld [tilespmem:s17+$0x400]  }
0x71: {  	s1 =	sor.u32 s24, s1;
	v13 =	vld [tilespmem:s6+$0x400];
	v14 =	vand.u32 $0x1FF, v7  }
0x72: {  	s30 =	sand.u32 $0x3F80, s0;
	v16 =	vld [tilespmem:s1+$0x400];
	v11 =	vand.u32 $0x1FF, v5  }
0x73: {  	v17 =	vld [tilespmem:s1+$0x480];
	s1 =	sor.u32 s16, s30;
	v15 =	vand.u32 $0x1FF, v8  }
0x74: {  	v20 =	vld [tilespmem:s1+$0xA000];
	vm0 =	vlt.s32 v5, $0x200;
	vm1 =	vlt.s32 v8, $0x200;
	vm2 =	vlt.s32 v7, $0x200  }
0x75: {  	vm3 =	vgt.s32 v3, $0x1849F;
	v3 =	vadd.s32 $0x160, v3;
	v7 =	vld [tilespmem:s2+$0xFFFFFFD0];
	v18 =	vadd.s32 $0x160, v10  }
0x76: {  	vm4 =	vgt.s32 v4, $0x1849F;
	v62 =	vand.u32 $0x1FF, v12;
	v4 =	vadd.s32 $0x160, v4;
	v8 =	vld.idx.msk [tilespmem:v14+s3+$0x0], $0xffff  }
0x77: {  	v19 =	vand.u32 $0x1FF, v13;
	vm5 =	vgt.s32 v9, $0x1849F;
	vm2 =	vmand vm2, vm3;
	v5 =	vld.idx.msk [tilespmem:v11+s3+$0x0], $0xffff  }
0x78: {  	vm6 =	vgt.s32 v6, $0x1849F;
	vm3 =	vgt.s32 v10, $0x1849F;
	v10 =	vand.u32 $0x1FF, v3;
	v15 =	vld.idx.msk [tilespmem:v15+s3+$0x0], $0xffff  }
0x79: {  	v21 =	vand.u32 $0x1FF, v16;
	v24 =	vadd.s32 $0x160, v17;
	vm4 =	vmand vm1, vm4;
	v3 =	vld [tilespmem:s2+$0xFFFFFFF0]  }
0x7a: {  	v22 =	vand.u32 $0x1FF, v4;
	v11 =	vadd.s32 $0x160, v9;
	v9 =	vadd.s32 $0x160, v6;
	v6 =	vld [tilespmem:s2+$0x20]  }
0x7b: {  	vm0 =	vmand vm0, vm3;
	v4 =	vand.u32 $0x1FF, v11;
	v23 =	vmul.f32 v8, v2;
	v8 =	vld.idx.msk [tilespmem:v62+s3+$0x0], $0xffff  }
0x7c: {  	v11 =	vand.u32 $0x1FF, v18;
	v2 =	vand.u32 $0x1FF, v9;
	v9 =	vmul.f32 v5, v7;
	v7 =	vld.idx.msk [tilespmem:v19+s3+$0x0], $0xffff  }
0x7d: {  	vm7 =	vgt.s32 v17, $0x1849F;
	v63 =	vmul.f32 v15, v20;
	[tilespmem:v10+s26+$0x0] =	vst.idx.add.f32.msk vm2, v23;
	vm2 =	vlt.s32 v12, $0x200  }
0x7e: {  	vm8 =	vlt.s32 v16, $0x200;
	vm1 =	vlt.s32 v13, $0x200;
	v10 =	vld.idx.msk [tilespmem:v21+s3+$0x0], $0xffff;
	vm3 =	vmand vm2, vm6  }
0x7f: {  	s29 =	simm.s32 $0xA090;
	vm1 =	vmand vm1, vm5;
	s2 =	simm.s32 $0xC0;
	v5 =	vand.u32 $0x1FF, v24;
	[tilespmem:v22+s26+$0x0] =	vst.idx.add.f32.msk vm4, v63;
	vm2 =	vmand vm8, vm7  }
.LBB2_2:
0x80: {  	s1 =	sand.u32 $0x7F00, s2  }
0x81: {  	s14 =	sadd.s32 $0x90, s0;
	[tilespmem:v11+s26+$0x0] =	vst.idx.add.f32.msk vm0, v9;
	s15 =	smov.u32 s0;
	s0 =	sadd.s32 $0x60, s0  }
0x82: {  	s17 =	sadd.s32 $0x80, s2;
	v6 =	vmul.f32 v8, v6;
	s16 =	sand.u32 $0x60, s0;
	s14 =	sand.u32 $0x70, s14;
	v9 =	vld [tilespmem:s29+$0x10]  }
0x83: {  	s4 =	sadd.s32 $0x80, s15;
	s17 =	sand.u32 $0xFF00, s17;
	v3 =	vmul.f32 v7, v3;
	s30 =	sor.u32 $0x10, s16;
	v12 =	vld [tilespmem:s29+$0x0]  }
0x84: {  	s5 =	sadd.s32 $0x40, s2;
	s6 =	sadd.s32 $0x60, s2;
	s23 =	sadd.s32 $0xA0, s2;
	v7 =	vmul.f32 v10, v1;
	[tilespmem:v2+s26+$0x0] =	vst.idx.add.f32.msk vm3, v6  }
0x85: {  	s1 =	sadd.s32 $0x400, s1;
	s6 =	sand.u32 $0xFF00, s6;
	s24 =	sadd.s32 $0xA0, s15;
	[tilespmem:v4+s26+$0x0] =	vst.idx.add.f32.msk vm1, v3  }
0x86: {  	s15 =	sadd.s32 $0xB0, s15;
	s6 =	sor.u32 s14, s6;
	s14 =	sand.u32 $0x60, s24;
	[tilespmem:v5+s26+$0x0] =	vst.idx.add.f32.msk vm2, v7  }
0x87: {  	s5 =	sand.u32 $0xFF00, s5;
	s24 =	sor.u32 s30, s1;
	s14 =	sor.u32 s14, s17;
	v2 =	vld [tilespmem:s6+$0x480];
	v1 =	vmov v9  }
0x88: {  	s15 =	sand.u32 $0x70, s15;
	s1 =	sor.u32 s16, s1;
	s16 =	sand.u32 $0xFF00, s23;
	v3 =	vld [tilespmem:s24+$0x80]  }
0x89: {  	p1 =	slt.u32 s0, $0x26A0;
	s15 =	sor.u32 s15, s16;
	v4 =	vld [tilespmem:s1+$0x0]  }
0x8a: {  	s4 =	sand.u32 $0x60, s4;
	v5 =	vld [tilespmem:s15+$0x480]  }
0x8b: {  	s4 =	sor.u32 s4, s5;
	v6 =	vld [tilespmem:s6+$0x400]  }
0x8c: {  	v7 =	vld [tilespmem:s24+$0x0]  }
0x8d: {  	v8 =	vld [tilespmem:s4+$0x480]  }
0x8e: {  	v9 =	vld [tilespmem:s1+$0x80];
	v10 =	vand.u32 $0x1FF, v4  }
0x8f: {  	v13 =	vld [tilespmem:s15+$0x400]  }
0x90: {  	vm0 =	vlt.s32 v4, $0x200;
	v4 =	vld [tilespmem:s4+$0x400];
	v11 =	vand.u32 $0x1FF, v6  }
0x91: {  	vm4 =	vlt.s32 v6, $0x200;
	vm1 =	vlt.s32 v7, $0x200;
	v7 =	vand.u32 $0x1FF, v7;
	v14 =	vld [tilespmem:s14+$0x400]  }
0x92: {  	vm5 =	vgt.s32 v2, $0x1849F;
	v2 =	vadd.s32 $0x160, v2;
	v6 =	vadd.s32 $0x160, v8;
	v15 =	vld [tilespmem:s14+$0x480]  }
0x93: {  	vm6 =	vgt.s32 v3, $0x1849F;
	v3 =	vadd.s32 $0x160, v3;
	v10 =	vld.idx.msk [tilespmem:v10+s3+$0x0], $0xffff;
	v16 =	vadd.s32 $0x160, v9  }
0x94: {  	v18 =	vand.u32 $0x1FF, v2;
	vm2 =	vgt.s32 v8, $0x1849F;
	vm7 =	vgt.s32 v9, $0x1849F;
	v17 =	vld [tilespmem:s29+$0xFFFFFFD0]  }
0x95: {  	s1 =	sand.u32 $0x3F80, s0;
	vm3 =	vgt.s32 v5, $0x1849F;
	v2 =	vadd.s32 $0x160, v5;
	v8 =	vand.u32 $0x1FF, v13;
	v19 =	vld.idx.msk [tilespmem:v11+s3+$0x0], $0xffff  }
0x96: {  	s1 =	sor.u32 s30, s1;
	vm0 =	vmand vm0, vm7;
	v20 =	vld.idx.msk [tilespmem:v7+s3+$0x0], $0xffff;
	v7 =	vand.u32 $0x1FF, v4;
	v21 =	vand.u32 $0x1FF, v14  }
0x97: {  	v2 =	vand.u32 $0x1FF, v2;
	vm4 =	vmand vm4, vm5;
	v22 =	vld [tilespmem:s1+$0xA000];
	v5 =	vadd.s32 $0x160, v15  }
0x98: {  	v23 =	vand.u32 $0x1FF, v3;
	vm5 =	vmand vm1, vm6;
	vm6 =	vgt.s32 v15, $0x1849F;
	v3 =	vld [tilespmem:s29+$0xFFFFFFF0]  }
0x99: {  	vm1 =	vlt.s32 v4, $0x200;
	v4 =	vand.u32 $0x1FF, v6;
	v9 =	vmul.f32 v10, v17;
	v6 =	vld [tilespmem:s29+$0x20]  }
.Ltmp2:
0x9a: {  	vm7 =	vlt.s32 v13, $0x200;
	v11 =	vand.u32 $0x1FF, v16;
	v5 =	vand.u32 $0x1FF, v5;
	v8 =	vld.idx.msk [tilespmem:v8+s3+$0x0], $0xffff;
	(pc) =	sbr.rel @p1 .LBB2_2-.Ltmp2, $4  }
0x9b: {  	vm3 =	vmand vm7, vm3;
	vm1 =	vmand vm1, vm2;
	v12 =	vmul.f32 v19, v12;
	v7 =	vld.idx.msk [tilespmem:v7+s3+$0x0], $0xffff  }
0x9c: {  	vm2 =	vlt.s32 v14, $0x200;
	v13 =	vmul.f32 v20, v22;
	v10 =	vld.idx.msk [tilespmem:v21+s3+$0x0], $0xffff  }
0x9d: {  	vm2 =	vmand vm2, vm6;
	[tilespmem:v18+s26+$0x0] =	vst.idx.add.f32.msk vm4, v12  }
0x9e: {  	s2 =	sadd.s32 $0xC0, s2;
	s29 =	sadd.s32 $0x60, s29;
	[tilespmem:v23+s26+$0x0] =	vst.idx.add.f32.msk vm5, v13  }
0x9f: {  	_ =	sdelay $0x3  }
0xa0: {  	v6 =	vmul.f32 v8, v6  }
0xa1: {  	[tilespmem:v11+s26+$0x0] =	vst.idx.add.f32.msk vm0, v9;
	v3 =	vmul.f32 v7, v3  }
0xa2: {  	v1 =	vmul.f32 v10, v1;
	[tilespmem:v2+s26+$0x0] =	vst.idx.add.f32.msk vm3, v6  }
0xa3: {  	[tilespmem:v4+s26+$0x0] =	vst.idx.add.f32.msk vm1, v3  }
0xa4: {  	s1 =	simm.s32 $0x0;
	[tilespmem:v5+s26+$0x0] =	vst.idx.add.f32.msk vm2, v1  }
0xa5: {  	[tilespmem:s21], [sflag:$0x1] =	stream.linear.gather [hbm4b:s8+s1], $0x4E00, $0x38;
	[tilespmem:$0x10C00] =	vst v63  }
0xa6: {  	_ = 	snop  }
0xa7: {  	[tilespmem:s22], [sflag:$0x1] =	stream.linear.gather [hbm4b:s9+s1], $0x2700, $0x38;
	[tilespmem:$0x10C00] =	vst v63  }
0xa8: {  	_ =	swait.ge [sflag:s28], $0x4E00  }
0xa9: {  	[sflag:s28] =	ssyncset.done $0x0  }
0xaa: {  	[sflag:s28] =	ssyncadd.s32 $0xFFFFB200  }
0xab: {  	s2 =	simm.s32 $0xC730;
	_ =	swait.ge [sflag:s28], $0x2700  }
0xac: {  	s0 =	simm.s32 $0x0;
	s4 =	simm.s32 $0x30;
	[sflag:s28] =	ssyncset.done $0x0  }
0xad: {  	s5 =	simm.s32 $0x60;
	s6 =	sand.u32 $0x60, s0;
	[sflag:s28] =	ssyncadd.s32 $0xFFFFD900  }
0xae: {  	s4 =	sand.u32 $0x70, s4;
	s5 =	sand.u32 $0xFF00, s5;
	s1 =	sand.u32 $0x7F00, s1;
	v1 =	vld [tilespmem:s2+$0x10]  }
0xaf: {  	s14 =	sor.u32 $0x10, s6;
	s4 =	sor.u32 s4, s5;
	s1 =	sadd.s32 $0x5200, s1;
	v2 =	vld [tilespmem:s2+$0x0]  }
0xb0: {  	s30 =	simm.s32 $0xA0;
	s15 =	simm.s32 $0x50;
	s16 =	sor.u32 s14, s1;
	v3 =	vld [tilespmem:s4+$0x5280]  }
0xb1: {  	s17 =	sand.u32 $0x70, s15;
	s5 =	sand.u32 $0xFF00, s30;
	s1 =	sor.u32 s6, s1;
	v4 =	vld [tilespmem:s16+$0x80]  }
0xb2: {  	s5 =	sor.u32 s17, s5;
	v5 =	vld [tilespmem:s1+$0x0]  }
0xb3: {  	s23 =	simm.s32 $0x20;
	s24 =	simm.s32 $0x40;
	v6 =	vld [tilespmem:s5+$0x5280]  }
0xb4: {  	s15 =	sand.u32 $0xFF00, s24;
	s6 =	sand.u32 $0x60, s23;
	v7 =	vld [tilespmem:s4+$0x5200]  }
0xb5: {  	s30 =	sor.u32 s6, s15;
	v8 =	vld [tilespmem:s16+$0x0]  }
0xb6: {  	v9 =	vld [tilespmem:s30+$0x5280]  }
0xb7: {  	s17 =	simm.s32 $0x40;
	s16 =	simm.s32 $0x80;
	v10 =	vld [tilespmem:s1+$0x80]  }
0xb8: {  	s24 =	sand.u32 $0x60, s17;
	v12 =	vld [tilespmem:s5+$0x5200];
	s23 =	sand.u32 $0xFF00, s16  }
0xb9: {  	v13 =	vld [tilespmem:s30+$0x5200];
	s1 =	sor.u32 s24, s23;
	v14 =	vand.u32 $0x1FF, v7  }
0xba: {  	s30 =	sand.u32 $0x3F80, s0;
	v16 =	vld [tilespmem:s1+$0x5200];
	v11 =	vand.u32 $0x1FF, v5  }
0xbb: {  	v17 =	vld [tilespmem:s1+$0x5280];
	s1 =	sor.u32 s14, s30;
	v15 =	vand.u32 $0x1FF, v8  }
0xbc: {  	v20 =	vld [tilespmem:s1+$0xC700];
	vm0 =	vlt.s32 v5, $0x200;
	vm1 =	vlt.s32 v8, $0x200;
	vm2 =	vlt.s32 v7, $0x200  }
0xbd: {  	vm3 =	vgt.s32 v3, $0x1849F;
	v3 =	vadd.s32 $0x160, v3;
	v7 =	vld [tilespmem:s2+$0xFFFFFFD0];
	v18 =	vadd.s32 $0x160, v10  }
0xbe: {  	vm4 =	vgt.s32 v4, $0x1849F;
	v62 =	vand.u32 $0x1FF, v12;
	v4 =	vadd.s32 $0x160, v4;
	v8 =	vld.idx.msk [tilespmem:v14+s3+$0x0], $0xffff  }
0xbf: {  	v19 =	vand.u32 $0x1FF, v13;
	vm5 =	vgt.s32 v9, $0x1849F;
	vm2 =	vmand vm2, vm3;
	v5 =	vld.idx.msk [tilespmem:v11+s3+$0x0], $0xffff  }
0xc0: {  	vm6 =	vgt.s32 v6, $0x1849F;
	vm3 =	vgt.s32 v10, $0x1849F;
	v10 =	vand.u32 $0x1FF, v3;
	v15 =	vld.idx.msk [tilespmem:v15+s3+$0x0], $0xffff  }
0xc1: {  	vm4 =	vmand vm1, vm4;
	v3 =	vld [tilespmem:s2+$0xFFFFFFF0];
	v22 =	vand.u32 $0x1FF, v4;
	v21 =	vand.u32 $0x1FF, v16  }
0xc2: {  	vm1 =	vlt.s32 v13, $0x200;
	v11 =	vadd.s32 $0x160, v9;
	v9 =	vadd.s32 $0x160, v6;
	v6 =	vld [tilespmem:s2+$0x20]  }
0xc3: {  	vm0 =	vmand vm0, vm3;
	v4 =	vand.u32 $0x1FF, v11;
	v23 =	vmul.f32 v8, v2;
	v8 =	vld.idx.msk [tilespmem:v62+s3+$0x0], $0xffff  }
0xc4: {  	v11 =	vand.u32 $0x1FF, v18;
	v2 =	vand.u32 $0x1FF, v9;
	v9 =	vmul.f32 v5, v7;
	v7 =	vld.idx.msk [tilespmem:v19+s3+$0x0], $0xffff  }
0xc5: {  	v24 =	vadd.s32 $0x160, v17;
	v63 =	vmul.f32 v15, v20;
	[tilespmem:v10+s26+$0x0] =	vst.idx.add.f32.msk vm2, v23;
	vm2 =	vlt.s32 v12, $0x200  }
0xc6: {  	vm7 =	vgt.s32 v17, $0x1849F;
	vm8 =	vlt.s32 v16, $0x200;
	v10 =	vld.idx.msk [tilespmem:v21+s3+$0x0], $0xffff;
	vm3 =	vmand vm2, vm6  }
0xc7: {  	s29 =	simm.s32 $0xC790;
	vm1 =	vmand vm1, vm5;
	s2 =	simm.s32 $0xC0;
	v5 =	vand.u32 $0x1FF, v24;
	[tilespmem:v22+s26+$0x0] =	vst.idx.add.f32.msk vm4, v63;
	vm2 =	vmand vm8, vm7  }
.LBB2_4:
0xc8: {  	s1 =	sand.u32 $0x7F00, s2  }
0xc9: {  	s4 =	sadd.s32 $0x90, s0;
	[tilespmem:v11+s26+$0x0] =	vst.idx.add.f32.msk vm0, v9;
	s5 =	smov.u32 s0;
	s0 =	sadd.s32 $0x60, s0  }
0xca: {  	s14 =	sadd.s32 $0x80, s2;
	v6 =	vmul.f32 v8, v6;
	s6 =	sand.u32 $0x60, s0;
	s4 =	sand.u32 $0x70, s4;
	v9 =	vld [tilespmem:s29+$0x10]  }
0xcb: {  	s15 =	sadd.s32 $0x80, s5;
	s14 =	sand.u32 $0xFF00, s14;
	v3 =	vmul.f32 v7, v3;
	s30 =	sor.u32 $0x10, s6;
	v12 =	vld [tilespmem:s29+$0x0]  }
0xcc: {  	s16 =	sadd.s32 $0x40, s2;
	s17 =	sadd.s32 $0x60, s2;
	s23 =	sadd.s32 $0xA0, s2;
	v7 =	vmul.f32 v10, v1;
	[tilespmem:v2+s26+$0x0] =	vst.idx.add.f32.msk vm3, v6  }
0xcd: {  	s1 =	sadd.s32 $0x5200, s1;
	s17 =	sand.u32 $0xFF00, s17;
	s24 =	sadd.s32 $0xA0, s5;
	[tilespmem:v4+s26+$0x0] =	vst.idx.add.f32.msk vm1, v3  }
0xce: {  	s5 =	sadd.s32 $0xB0, s5;
	s4 =	sor.u32 s4, s17;
	s17 =	sand.u32 $0x60, s24;
	[tilespmem:v5+s26+$0x0] =	vst.idx.add.f32.msk vm2, v7  }
0xcf: {  	s16 =	sand.u32 $0xFF00, s16;
	s24 =	sor.u32 s30, s1;
	s14 =	sor.u32 s17, s14;
	v2 =	vld [tilespmem:s4+$0x5280];
	v1 =	vmov v9  }
0xd0: {  	s5 =	sand.u32 $0x70, s5;
	s1 =	sor.u32 s6, s1;
	s6 =	sand.u32 $0xFF00, s23;
	v3 =	vld [tilespmem:s24+$0x80]  }
0xd1: {  	p1 =	slt.u32 s0, $0x26A0;
	s5 =	sor.u32 s5, s6;
	v4 =	vld [tilespmem:s1+$0x0]  }
0xd2: {  	s6 =	sand.u32 $0x60, s15;
	v5 =	vld [tilespmem:s5+$0x5280]  }
0xd3: {  	s6 =	sor.u32 s6, s16;
	v6 =	vld [tilespmem:s4+$0x5200]  }
0xd4: {  	v7 =	vld [tilespmem:s24+$0x0]  }
0xd5: {  	v8 =	vld [tilespmem:s6+$0x5280]  }
0xd6: {  	v9 =	vld [tilespmem:s1+$0x80];
	v10 =	vand.u32 $0x1FF, v4  }
0xd7: {  	v13 =	vld [tilespmem:s5+$0x5200]  }
0xd8: {  	vm0 =	vlt.s32 v4, $0x200;
	v4 =	vld [tilespmem:s6+$0x5200];
	v11 =	vand.u32 $0x1FF, v6  }
0xd9: {  	vm4 =	vlt.s32 v6, $0x200;
	vm1 =	vlt.s32 v7, $0x200;
	v7 =	vand.u32 $0x1FF, v7;
	v14 =	vld [tilespmem:s14+$0x5200]  }
0xda: {  	vm5 =	vgt.s32 v2, $0x1849F;
	v2 =	vadd.s32 $0x160, v2;
	v6 =	vadd.s32 $0x160, v8;
	v15 =	vld [tilespmem:s14+$0x5280]  }
0xdb: {  	vm6 =	vgt.s32 v3, $0x1849F;
	v3 =	vadd.s32 $0x160, v3;
	v10 =	vld.idx.msk [tilespmem:v10+s3+$0x0], $0xffff;
	v16 =	vadd.s32 $0x160, v9  }
0xdc: {  	v18 =	vand.u32 $0x1FF, v2;
	vm2 =	vgt.s32 v8, $0x1849F;
	vm7 =	vgt.s32 v9, $0x1849F;
	v17 =	vld [tilespmem:s29+$0xFFFFFFD0]  }
0xdd: {  	s1 =	sand.u32 $0x3F80, s0;
	vm3 =	vgt.s32 v5, $0x1849F;
	v2 =	vadd.s32 $0x160, v5;
	v8 =	vand.u32 $0x1FF, v13;
	v19 =	vld.idx.msk [tilespmem:v11+s3+$0x0], $0xffff  }
0xde: {  	s1 =	sor.u32 s30, s1;
	vm0 =	vmand vm0, vm7;
	v20 =	vld.idx.msk [tilespmem:v7+s3+$0x0], $0xffff;
	v7 =	vand.u32 $0x1FF, v4;
	v21 =	vand.u32 $0x1FF, v14  }
0xdf: {  	v2 =	vand.u32 $0x1FF, v2;
	vm4 =	vmand vm4, vm5;
	v22 =	vld [tilespmem:s1+$0xC700];
	v5 =	vadd.s32 $0x160, v15  }
0xe0: {  	v23 =	vand.u32 $0x1FF, v3;
	vm5 =	vmand vm1, vm6;
	vm6 =	vgt.s32 v15, $0x1849F;
	v3 =	vld [tilespmem:s29+$0xFFFFFFF0]  }
0xe1: {  	vm1 =	vlt.s32 v4, $0x200;
	v4 =	vand.u32 $0x1FF, v6;
	v9 =	vmul.f32 v10, v17;
	v6 =	vld [tilespmem:s29+$0x20]  }
.Ltmp3:
0xe2: {  	vm7 =	vlt.s32 v13, $0x200;
	v11 =	vand.u32 $0x1FF, v16;
	v5 =	vand.u32 $0x1FF, v5;
	v8 =	vld.idx.msk [tilespmem:v8+s3+$0x0], $0xffff;
	(pc) =	sbr.rel @p1 .LBB2_4-.Ltmp3, $4  }
0xe3: {  	vm3 =	vmand vm7, vm3;
	vm1 =	vmand vm1, vm2;
	v12 =	vmul.f32 v19, v12;
	v7 =	vld.idx.msk [tilespmem:v7+s3+$0x0], $0xffff  }
0xe4: {  	vm2 =	vlt.s32 v14, $0x200;
	v13 =	vmul.f32 v20, v22;
	v10 =	vld.idx.msk [tilespmem:v21+s3+$0x0], $0xffff  }
0xe5: {  	vm2 =	vmand vm2, vm6;
	[tilespmem:v18+s26+$0x0] =	vst.idx.add.f32.msk vm4, v12  }
0xe6: {  	s2 =	sadd.s32 $0xC0, s2;
	s29 =	sadd.s32 $0x60, s29;
	[tilespmem:v23+s26+$0x0] =	vst.idx.add.f32.msk vm5, v13  }
0xe7: {  	_ =	sdelay $0x3  }
0xe8: {  	v6 =	vmul.f32 v8, v6  }
0xe9: {  	[tilespmem:v11+s26+$0x0] =	vst.idx.add.f32.msk vm0, v9;
	v3 =	vmul.f32 v7, v3  }
0xea: {  	v1 =	vmul.f32 v10, v1;
	[tilespmem:v2+s26+$0x0] =	vst.idx.add.f32.msk vm3, v6  }
0xeb: {  	[tilespmem:v4+s26+$0x0] =	vst.idx.add.f32.msk vm1, v3  }
0xec: {  	s1 =	simm.s32 $0x0;
	s0 =	simm.s32 $0x5200;
	[tilespmem:v5+s26+$0x0] =	vst.idx.add.f32.msk vm2, v1  }
0xed: {  	[tilespmem:s0], [sflag:$0x2] =	stream.linear.gather [hbm4b:s10+s1], $0x4E00, $0x38;
	[tilespmem:$0x10C00] =	vst v63  }
0xee: {  	s24 =	simm.s32 $0xC700  }
0xef: {  	[tilespmem:s24], [sflag:$0x2] =	stream.linear.gather [hbm4b:s11+s1], $0x2700, $0x38;
	[tilespmem:$0x10C00] =	vst v63  }
0xf0: {  	_ =	swait.ge [sflag:s25], $0x4E00  }
0xf1: {  	[sflag:s25] =	ssyncset.done $0x0  }
0xf2: {  	[sflag:s25] =	ssyncadd.s32 $0xFFFFB200  }
0xf3: {  	s2 =	simm.s32 $0xA030;
	_ =	swait.ge [sflag:s25], $0x2700  }
0xf4: {  	s4 =	simm.s32 $0x30;
	s5 =	simm.s32 $0x60;
	[sflag:s25] =	ssyncset.done $0x0  }
0xf5: {  	s4 =	sand.u32 $0x70, s4;
	s0 =	simm.s32 $0x0;
	[sflag:s25] =	ssyncadd.s32 $0xFFFFD900  }
0xf6: {  	s5 =	sand.u32 $0xFF00, s5;
	s6 =	sand.u32 $0x60, s0;
	s1 =	sand.u32 $0x7F00, s1;
	v1 =	vld [tilespmem:s2+$0x10]  }
0xf7: {  	s4 =	sor.u32 s4, s5;
	s14 =	sor.u32 $0x10, s6;
	s1 =	sadd.s32 $0x400, s1;
	v2 =	vld [tilespmem:s2+$0x0]  }
0xf8: {  	s30 =	simm.s32 $0xA0;
	s15 =	simm.s32 $0x50;
	s16 =	sor.u32 s14, s1;
	v3 =	vld [tilespmem:s4+$0x480]  }
0xf9: {  	s17 =	sand.u32 $0x70, s15;
	s5 =	sand.u32 $0xFF00, s30;
	s1 =	sor.u32 s6, s1;
	v4 =	vld [tilespmem:s16+$0x80]  }
0xfa: {  	s5 =	sor.u32 s17, s5;
	v5 =	vld [tilespmem:s1+$0x0]  }
0xfb: {  	s23 =	simm.s32 $0x20;
	s24 =	simm.s32 $0x40;
	v6 =	vld [tilespmem:s5+$0x480]  }
0xfc: {  	s15 =	sand.u32 $0xFF00, s24;
	s6 =	sand.u32 $0x60, s23;
	v7 =	vld [tilespmem:s4+$0x400]  }
0xfd: {  	s30 =	sor.u32 s6, s15;
	v8 =	vld [tilespmem:s16+$0x0]  }
0xfe: {  	v9 =	vld [tilespmem:s30+$0x480]  }
0xff: {  	s17 =	simm.s32 $0x40;
	s16 =	simm.s32 $0x80;
	v10 =	vld [tilespmem:s1+$0x80]  }
0x100: {  	s24 =	sand.u32 $0x60, s17;
	v12 =	vld [tilespmem:s5+$0x400];
	s23 =	sand.u32 $0xFF00, s16  }
0x101: {  	v13 =	vld [tilespmem:s30+$0x400];
	s1 =	sor.u32 s24, s23;
	v14 =	vand.u32 $0x1FF, v7  }
0x102: {  	s30 =	sand.u32 $0x3F80, s0;
	v16 =	vld [tilespmem:s1+$0x400];
	v11 =	vand.u32 $0x1FF, v5  }
0x103: {  	v17 =	vld [tilespmem:s1+$0x480];
	s1 =	sor.u32 s14, s30;
	v15 =	vand.u32 $0x1FF, v8  }
0x104: {  	v20 =	vld [tilespmem:s1+$0xA000];
	vm0 =	vlt.s32 v5, $0x200;
	vm1 =	vlt.s32 v8, $0x200;
	vm2 =	vlt.s32 v7, $0x200  }
0x105: {  	vm3 =	vgt.s32 v3, $0x1849F;
	v3 =	vadd.s32 $0x160, v3;
	v7 =	vld [tilespmem:s2+$0xFFFFFFD0];
	v18 =	vadd.s32 $0x160, v10  }
0x106: {  	vm4 =	vgt.s32 v4, $0x1849F;
	v62 =	vand.u32 $0x1FF, v12;
	v4 =	vadd.s32 $0x160, v4;
	v8 =	vld.idx.msk [tilespmem:v14+s3+$0x0], $0xffff  }
0x107: {  	v19 =	vand.u32 $0x1FF, v13;
	vm5 =	vgt.s32 v9, $0x1849F;
	vm2 =	vmand vm2, vm3;
	v5 =	vld.idx.msk [tilespmem:v11+s3+$0x0], $0xffff  }
0x108: {  	vm6 =	vgt.s32 v6, $0x1849F;
	vm3 =	vgt.s32 v10, $0x1849F;
	v10 =	vand.u32 $0x1FF, v3;
	v15 =	vld.idx.msk [tilespmem:v15+s3+$0x0], $0xffff  }
0x109: {  	vm4 =	vmand vm1, vm4;
	v3 =	vld [tilespmem:s2+$0xFFFFFFF0];
	v22 =	vand.u32 $0x1FF, v4;
	v21 =	vand.u32 $0x1FF, v16  }
0x10a: {  	vm1 =	vlt.s32 v13, $0x200;
	v11 =	vadd.s32 $0x160, v9;
	v9 =	vadd.s32 $0x160, v6;
	v6 =	vld [tilespmem:s2+$0x20]  }
0x10b: {  	vm0 =	vmand vm0, vm3;
	v4 =	vand.u32 $0x1FF, v11;
	v23 =	vmul.f32 v8, v2;
	v8 =	vld.idx.msk [tilespmem:v62+s3+$0x0], $0xffff  }
0x10c: {  	v11 =	vand.u32 $0x1FF, v18;
	v2 =	vand.u32 $0x1FF, v9;
	v9 =	vmul.f32 v5, v7;
	v7 =	vld.idx.msk [tilespmem:v19+s3+$0x0], $0xffff  }
0x10d: {  	v24 =	vadd.s32 $0x160, v17;
	v63 =	vmul.f32 v15, v20;
	[tilespmem:v10+s26+$0x0] =	vst.idx.add.f32.msk vm2, v23;
	vm2 =	vlt.s32 v12, $0x200  }
0x10e: {  	vm7 =	vgt.s32 v17, $0x1849F;
	vm8 =	vlt.s32 v16, $0x200;
	v10 =	vld.idx.msk [tilespmem:v21+s3+$0x0], $0xffff;
	vm3 =	vmand vm2, vm6  }
0x10f: {  	s29 =	simm.s32 $0xA090;
	vm1 =	vmand vm1, vm5;
	s2 =	simm.s32 $0xC0;
	v5 =	vand.u32 $0x1FF, v24;
	[tilespmem:v22+s26+$0x0] =	vst.idx.add.f32.msk vm4, v63;
	vm2 =	vmand vm8, vm7  }
.LBB2_6:
0x110: {  	s1 =	sand.u32 $0x7F00, s2  }
0x111: {  	s4 =	sadd.s32 $0x90, s0;
	[tilespmem:v11+s26+$0x0] =	vst.idx.add.f32.msk vm0, v9;
	s5 =	smov.u32 s0;
	s0 =	sadd.s32 $0x60, s0  }
0x112: {  	s14 =	sadd.s32 $0x80, s2;
	v6 =	vmul.f32 v8, v6;
	s6 =	sand.u32 $0x60, s0;
	s4 =	sand.u32 $0x70, s4;
	v9 =	vld [tilespmem:s29+$0x10]  }
0x113: {  	s15 =	sadd.s32 $0x80, s5;
	s14 =	sand.u32 $0xFF00, s14;
	v3 =	vmul.f32 v7, v3;
	s30 =	sor.u32 $0x10, s6;
	v12 =	vld [tilespmem:s29+$0x0]  }
0x114: {  	s16 =	sadd.s32 $0x40, s2;
	s17 =	sadd.s32 $0x60, s2;
	s23 =	sadd.s32 $0xA0, s2;
	v7 =	vmul.f32 v10, v1;
	[tilespmem:v2+s26+$0x0] =	vst.idx.add.f32.msk vm3, v6  }
0x115: {  	s1 =	sadd.s32 $0x400, s1;
	s17 =	sand.u32 $0xFF00, s17;
	s24 =	sadd.s32 $0xA0, s5;
	[tilespmem:v4+s26+$0x0] =	vst.idx.add.f32.msk vm1, v3  }
0x116: {  	s5 =	sadd.s32 $0xB0, s5;
	s4 =	sor.u32 s4, s17;
	s17 =	sand.u32 $0x60, s24;
	[tilespmem:v5+s26+$0x0] =	vst.idx.add.f32.msk vm2, v7  }
0x117: {  	s16 =	sand.u32 $0xFF00, s16;
	s24 =	sor.u32 s30, s1;
	s14 =	sor.u32 s17, s14;
	v2 =	vld [tilespmem:s4+$0x480];
	v1 =	vmov v9  }
0x118: {  	s5 =	sand.u32 $0x70, s5;
	s1 =	sor.u32 s6, s1;
	s6 =	sand.u32 $0xFF00, s23;
	v3 =	vld [tilespmem:s24+$0x80]  }
0x119: {  	p1 =	slt.u32 s0, $0x26A0;
	s5 =	sor.u32 s5, s6;
	v4 =	vld [tilespmem:s1+$0x0]  }
0x11a: {  	s6 =	sand.u32 $0x60, s15;
	v5 =	vld [tilespmem:s5+$0x480]  }
0x11b: {  	s6 =	sor.u32 s6, s16;
	v6 =	vld [tilespmem:s4+$0x400]  }
0x11c: {  	v7 =	vld [tilespmem:s24+$0x0]  }
0x11d: {  	v8 =	vld [tilespmem:s6+$0x480]  }
0x11e: {  	v9 =	vld [tilespmem:s1+$0x80];
	v10 =	vand.u32 $0x1FF, v4  }
0x11f: {  	v13 =	vld [tilespmem:s5+$0x400]  }
0x120: {  	vm0 =	vlt.s32 v4, $0x200;
	v4 =	vld [tilespmem:s6+$0x400];
	v11 =	vand.u32 $0x1FF, v6  }
0x121: {  	vm4 =	vlt.s32 v6, $0x200;
	vm1 =	vlt.s32 v7, $0x200;
	v7 =	vand.u32 $0x1FF, v7;
	v14 =	vld [tilespmem:s14+$0x400]  }
0x122: {  	vm5 =	vgt.s32 v2, $0x1849F;
	v2 =	vadd.s32 $0x160, v2;
	v6 =	vadd.s32 $0x160, v8;
	v15 =	vld [tilespmem:s14+$0x480]  }
0x123: {  	vm6 =	vgt.s32 v3, $0x1849F;
	v3 =	vadd.s32 $0x160, v3;
	v10 =	vld.idx.msk [tilespmem:v10+s3+$0x0], $0xffff;
	v16 =	vadd.s32 $0x160, v9  }
0x124: {  	v18 =	vand.u32 $0x1FF, v2;
	vm2 =	vgt.s32 v8, $0x1849F;
	vm7 =	vgt.s32 v9, $0x1849F;
	v17 =	vld [tilespmem:s29+$0xFFFFFFD0]  }
0x125: {  	s1 =	sand.u32 $0x3F80, s0;
	vm3 =	vgt.s32 v5, $0x1849F;
	v2 =	vadd.s32 $0x160, v5;
	v8 =	vand.u32 $0x1FF, v13;
	v19 =	vld.idx.msk [tilespmem:v11+s3+$0x0], $0xffff  }
0x126: {  	s1 =	sor.u32 s30, s1;
	vm0 =	vmand vm0, vm7;
	v20 =	vld.idx.msk [tilespmem:v7+s3+$0x0], $0xffff;
	v7 =	vand.u32 $0x1FF, v4;
	v21 =	vand.u32 $0x1FF, v14  }
0x127: {  	v2 =	vand.u32 $0x1FF, v2;
	vm4 =	vmand vm4, vm5;
	v22 =	vld [tilespmem:s1+$0xA000];
	v5 =	vadd.s32 $0x160, v15  }
0x128: {  	v23 =	vand.u32 $0x1FF, v3;
	vm5 =	vmand vm1, vm6;
	vm6 =	vgt.s32 v15, $0x1849F;
	v3 =	vld [tilespmem:s29+$0xFFFFFFF0]  }
0x129: {  	vm1 =	vlt.s32 v4, $0x200;
	v4 =	vand.u32 $0x1FF, v6;
	v9 =	vmul.f32 v10, v17;
	v6 =	vld [tilespmem:s29+$0x20]  }
.Ltmp4:
0x12a: {  	vm7 =	vlt.s32 v13, $0x200;
	v11 =	vand.u32 $0x1FF, v16;
	v5 =	vand.u32 $0x1FF, v5;
	v8 =	vld.idx.msk [tilespmem:v8+s3+$0x0], $0xffff;
	(pc) =	sbr.rel @p1 .LBB2_6-.Ltmp4, $4  }
0x12b: {  	vm3 =	vmand vm7, vm3;
	vm1 =	vmand vm1, vm2;
	v12 =	vmul.f32 v19, v12;
	v7 =	vld.idx.msk [tilespmem:v7+s3+$0x0], $0xffff  }
0x12c: {  	vm2 =	vlt.s32 v14, $0x200;
	v13 =	vmul.f32 v20, v22;
	v10 =	vld.idx.msk [tilespmem:v21+s3+$0x0], $0xffff  }
0x12d: {  	vm2 =	vmand vm2, vm6;
	[tilespmem:v18+s26+$0x0] =	vst.idx.add.f32.msk vm4, v12  }
0x12e: {  	s2 =	sadd.s32 $0xC0, s2;
	s29 =	sadd.s32 $0x60, s29;
	[tilespmem:v23+s26+$0x0] =	vst.idx.add.f32.msk vm5, v13  }
0x12f: {  	_ =	sdelay $0x3  }
0x130: {  	v6 =	vmul.f32 v8, v6  }
0x131: {  	[tilespmem:v11+s26+$0x0] =	vst.idx.add.f32.msk vm0, v9;
	v3 =	vmul.f32 v7, v3  }
0x132: {  	v1 =	vmul.f32 v10, v1;
	[tilespmem:v2+s26+$0x0] =	vst.idx.add.f32.msk vm3, v6  }
0x133: {  	[tilespmem:v4+s26+$0x0] =	vst.idx.add.f32.msk vm1, v3  }
0x134: {  	s1 =	simm.s32 $0x0;
	[tilespmem:v5+s26+$0x0] =	vst.idx.add.f32.msk vm2, v1  }
0x135: {  	[tilespmem:s21], [sflag:$0x1] =	stream.linear.gather [hbm4b:s12+s1], $0x4E00, $0x38;
	[tilespmem:$0x10C00] =	vst v63  }
0x136: {  	_ = 	snop  }
0x137: {  	[tilespmem:s22], [sflag:$0x1] =	stream.linear.gather [hbm4b:s13+s1], $0x2700, $0x38;
	[tilespmem:$0x10C00] =	vst v63  }
0x138: {  	_ =	swait.ge [sflag:s28], $0x4E00  }
0x139: {  	[sflag:s28] =	ssyncset.done $0x0  }
0x13a: {  	[sflag:s28] =	ssyncadd.s32 $0xFFFFB200  }
0x13b: {  	s2 =	simm.s32 $0xC730;
	_ =	swait.ge [sflag:s28], $0x2700  }
0x13c: {  	s0 =	simm.s32 $0x0;
	s4 =	simm.s32 $0x30;
	[sflag:s28] =	ssyncset.done $0x0  }
0x13d: {  	s5 =	simm.s32 $0x60;
	s6 =	sand.u32 $0x60, s0;
	[sflag:s28] =	ssyncadd.s32 $0xFFFFD900  }
0x13e: {  	s4 =	sand.u32 $0x70, s4;
	s5 =	sand.u32 $0xFF00, s5;
	s1 =	sand.u32 $0x7F00, s1;
	v1 =	vld [tilespmem:s2+$0x10]  }
0x13f: {  	s14 =	sor.u32 $0x10, s6;
	s4 =	sor.u32 s4, s5;
	s1 =	sadd.s32 $0x5200, s1;
	v2 =	vld [tilespmem:s2+$0x0]  }
0x140: {  	s30 =	simm.s32 $0xA0;
	s15 =	simm.s32 $0x50;
	s16 =	sor.u32 s14, s1;
	v3 =	vld [tilespmem:s4+$0x5280]  }
0x141: {  	s17 =	sand.u32 $0x70, s15;
	s5 =	sand.u32 $0xFF00, s30;
	s1 =	sor.u32 s6, s1;
	v4 =	vld [tilespmem:s16+$0x80]  }
0x142: {  	s5 =	sor.u32 s17, s5;
	v5 =	vld [tilespmem:s1+$0x0]  }
0x143: {  	s23 =	simm.s32 $0x20;
	s24 =	simm.s32 $0x40;
	v6 =	vld [tilespmem:s5+$0x5280]  }
0x144: {  	s15 =	sand.u32 $0xFF00, s24;
	s6 =	sand.u32 $0x60, s23;
	v7 =	vld [tilespmem:s4+$0x5200]  }
0x145: {  	s30 =	sor.u32 s6, s15;
	v8 =	vld [tilespmem:s16+$0x0]  }
0x146: {  	v9 =	vld [tilespmem:s30+$0x5280]  }
0x147: {  	s17 =	simm.s32 $0x40;
	s16 =	simm.s32 $0x80;
	v10 =	vld [tilespmem:s1+$0x80]  }
0x148: {  	s24 =	sand.u32 $0x60, s17;
	v12 =	vld [tilespmem:s5+$0x5200];
	s23 =	sand.u32 $0xFF00, s16  }
0x149: {  	v13 =	vld [tilespmem:s30+$0x5200];
	s1 =	sor.u32 s24, s23;
	v14 =	vand.u32 $0x1FF, v7  }
0x14a: {  	s30 =	sand.u32 $0x3F80, s0;
	v16 =	vld [tilespmem:s1+$0x5200];
	v11 =	vand.u32 $0x1FF, v5  }
0x14b: {  	v17 =	vld [tilespmem:s1+$0x5280];
	s1 =	sor.u32 s14, s30;
	v15 =	vand.u32 $0x1FF, v8  }
0x14c: {  	v20 =	vld [tilespmem:s1+$0xC700];
	vm0 =	vlt.s32 v5, $0x200;
	vm1 =	vlt.s32 v8, $0x200;
	vm2 =	vlt.s32 v7, $0x200  }
0x14d: {  	vm3 =	vgt.s32 v3, $0x1849F;
	v3 =	vadd.s32 $0x160, v3;
	v7 =	vld [tilespmem:s2+$0xFFFFFFD0];
	v18 =	vadd.s32 $0x160, v10  }
0x14e: {  	vm4 =	vgt.s32 v4, $0x1849F;
	v62 =	vand.u32 $0x1FF, v12;
	v4 =	vadd.s32 $0x160, v4;
	v8 =	vld.idx.msk [tilespmem:v14+s3+$0x0], $0xffff  }
0x14f: {  	v19 =	vand.u32 $0x1FF, v13;
	vm5 =	vgt.s32 v9, $0x1849F;
	vm2 =	vmand vm2, vm3;
	v5 =	vld.idx.msk [tilespmem:v11+s3+$0x0], $0xffff  }
0x150: {  	vm6 =	vgt.s32 v6, $0x1849F;
	vm3 =	vgt.s32 v10, $0x1849F;
	v10 =	vand.u32 $0x1FF, v3;
	v15 =	vld.idx.msk [tilespmem:v15+s3+$0x0], $0xffff  }
0x151: {  	vm4 =	vmand vm1, vm4;
	v3 =	vld [tilespmem:s2+$0xFFFFFFF0];
	v22 =	vand.u32 $0x1FF, v4;
	v21 =	vand.u32 $0x1FF, v16  }
0x152: {  	vm1 =	vlt.s32 v13, $0x200;
	v11 =	vadd.s32 $0x160, v9;
	v9 =	vadd.s32 $0x160, v6;
	v6 =	vld [tilespmem:s2+$0x20]  }
0x153: {  	vm0 =	vmand vm0, vm3;
	v4 =	vand.u32 $0x1FF, v11;
	v23 =	vmul.f32 v8, v2;
	v8 =	vld.idx.msk [tilespmem:v62+s3+$0x0], $0xffff  }
0x154: {  	v11 =	vand.u32 $0x1FF, v18;
	v2 =	vand.u32 $0x1FF, v9;
	v9 =	vmul.f32 v5, v7;
	v7 =	vld.idx.msk [tilespmem:v19+s3+$0x0], $0xffff  }
0x155: {  	v24 =	vadd.s32 $0x160, v17;
	v63 =	vmul.f32 v15, v20;
	[tilespmem:v10+s26+$0x0] =	vst.idx.add.f32.msk vm2, v23;
	vm2 =	vlt.s32 v12, $0x200  }
0x156: {  	vm7 =	vgt.s32 v17, $0x1849F;
	vm8 =	vlt.s32 v16, $0x200;
	v10 =	vld.idx.msk [tilespmem:v21+s3+$0x0], $0xffff;
	vm3 =	vmand vm2, vm6  }
0x157: {  	s29 =	simm.s32 $0xC790;
	vm1 =	vmand vm1, vm5;
	s2 =	simm.s32 $0xC0;
	v5 =	vand.u32 $0x1FF, v24;
	[tilespmem:v22+s26+$0x0] =	vst.idx.add.f32.msk vm4, v63;
	vm2 =	vmand vm8, vm7  }
.LBB2_8:
0x158: {  	s1 =	sand.u32 $0x7F00, s2  }
0x159: {  	s4 =	sadd.s32 $0x90, s0;
	[tilespmem:v11+s26+$0x0] =	vst.idx.add.f32.msk vm0, v9;
	s5 =	smov.u32 s0;
	s0 =	sadd.s32 $0x60, s0  }
0x15a: {  	s14 =	sadd.s32 $0x80, s2;
	v6 =	vmul.f32 v8, v6;
	s6 =	sand.u32 $0x60, s0;
	s4 =	sand.u32 $0x70, s4;
	v9 =	vld [tilespmem:s29+$0x10]  }
0x15b: {  	s15 =	sadd.s32 $0x80, s5;
	s14 =	sand.u32 $0xFF00, s14;
	v3 =	vmul.f32 v7, v3;
	s30 =	sor.u32 $0x10, s6;
	v12 =	vld [tilespmem:s29+$0x0]  }
0x15c: {  	s16 =	sadd.s32 $0x40, s2;
	s17 =	sadd.s32 $0x60, s2;
	s23 =	sadd.s32 $0xA0, s2;
	v7 =	vmul.f32 v10, v1;
	[tilespmem:v2+s26+$0x0] =	vst.idx.add.f32.msk vm3, v6  }
0x15d: {  	s1 =	sadd.s32 $0x5200, s1;
	s17 =	sand.u32 $0xFF00, s17;
	s24 =	sadd.s32 $0xA0, s5;
	[tilespmem:v4+s26+$0x0] =	vst.idx.add.f32.msk vm1, v3  }
0x15e: {  	s5 =	sadd.s32 $0xB0, s5;
	s4 =	sor.u32 s4, s17;
	s17 =	sand.u32 $0x60, s24;
	[tilespmem:v5+s26+$0x0] =	vst.idx.add.f32.msk vm2, v7  }
0x15f: {  	s16 =	sand.u32 $0xFF00, s16;
	s24 =	sor.u32 s30, s1;
	s14 =	sor.u32 s17, s14;
	v2 =	vld [tilespmem:s4+$0x5280];
	v1 =	vmov v9  }
0x160: {  	s5 =	sand.u32 $0x70, s5;
	s1 =	sor.u32 s6, s1;
	s6 =	sand.u32 $0xFF00, s23;
	v3 =	vld [tilespmem:s24+$0x80]  }
0x161: {  	p1 =	slt.u32 s0, $0x26A0;
	s5 =	sor.u32 s5, s6;
	v4 =	vld [tilespmem:s1+$0x0]  }
0x162: {  	s6 =	sand.u32 $0x60, s15;
	v5 =	vld [tilespmem:s5+$0x5280]  }
0x163: {  	s6 =	sor.u32 s6, s16;
	v6 =	vld [tilespmem:s4+$0x5200]  }
0x164: {  	v7 =	vld [tilespmem:s24+$0x0]  }
0x165: {  	v8 =	vld [tilespmem:s6+$0x5280]  }
0x166: {  	v9 =	vld [tilespmem:s1+$0x80];
	v10 =	vand.u32 $0x1FF, v4  }
0x167: {  	v13 =	vld [tilespmem:s5+$0x5200]  }
0x168: {  	vm0 =	vlt.s32 v4, $0x200;
	v4 =	vld [tilespmem:s6+$0x5200];
	v11 =	vand.u32 $0x1FF, v6  }
0x169: {  	vm4 =	vlt.s32 v6, $0x200;
	vm1 =	vlt.s32 v7, $0x200;
	v7 =	vand.u32 $0x1FF, v7;
	v14 =	vld [tilespmem:s14+$0x5200]  }
0x16a: {  	vm5 =	vgt.s32 v2, $0x1849F;
	v2 =	vadd.s32 $0x160, v2;
	v6 =	vadd.s32 $0x160, v8;
	v15 =	vld [tilespmem:s14+$0x5280]  }
0x16b: {  	vm6 =	vgt.s32 v3, $0x1849F;
	v3 =	vadd.s32 $0x160, v3;
	v10 =	vld.idx.msk [tilespmem:v10+s3+$0x0], $0xffff;
	v16 =	vadd.s32 $0x160, v9  }
0x16c: {  	v18 =	vand.u32 $0x1FF, v2;
	vm2 =	vgt.s32 v8, $0x1849F;
	vm7 =	vgt.s32 v9, $0x1849F;
	v17 =	vld [tilespmem:s29+$0xFFFFFFD0]  }
0x16d: {  	s1 =	sand.u32 $0x3F80, s0;
	vm3 =	vgt.s32 v5, $0x1849F;
	v2 =	vadd.s32 $0x160, v5;
	v8 =	vand.u32 $0x1FF, v13;
	v19 =	vld.idx.msk [tilespmem:v11+s3+$0x0], $0xffff  }
0x16e: {  	s1 =	sor.u32 s30, s1;
	vm0 =	vmand vm0, vm7;
	v20 =	vld.idx.msk [tilespmem:v7+s3+$0x0], $0xffff;
	v7 =	vand.u32 $0x1FF, v4;
	v21 =	vand.u32 $0x1FF, v14  }
0x16f: {  	v2 =	vand.u32 $0x1FF, v2;
	vm4 =	vmand vm4, vm5;
	v22 =	vld [tilespmem:s1+$0xC700];
	v5 =	vadd.s32 $0x160, v15  }
0x170: {  	v23 =	vand.u32 $0x1FF, v3;
	vm5 =	vmand vm1, vm6;
	vm6 =	vgt.s32 v15, $0x1849F;
	v3 =	vld [tilespmem:s29+$0xFFFFFFF0]  }
0x171: {  	vm1 =	vlt.s32 v4, $0x200;
	v4 =	vand.u32 $0x1FF, v6;
	v9 =	vmul.f32 v10, v17;
	v6 =	vld [tilespmem:s29+$0x20]  }
.Ltmp5:
0x172: {  	vm7 =	vlt.s32 v13, $0x200;
	v11 =	vand.u32 $0x1FF, v16;
	v5 =	vand.u32 $0x1FF, v5;
	v8 =	vld.idx.msk [tilespmem:v8+s3+$0x0], $0xffff;
	(pc) =	sbr.rel @p1 .LBB2_8-.Ltmp5, $4  }
0x173: {  	vm3 =	vmand vm7, vm3;
	vm1 =	vmand vm1, vm2;
	v12 =	vmul.f32 v19, v12;
	v7 =	vld.idx.msk [tilespmem:v7+s3+$0x0], $0xffff  }
0x174: {  	vm2 =	vlt.s32 v14, $0x200;
	v13 =	vmul.f32 v20, v22;
	v10 =	vld.idx.msk [tilespmem:v21+s3+$0x0], $0xffff  }
0x175: {  	vm2 =	vmand vm2, vm6;
	[tilespmem:v18+s26+$0x0] =	vst.idx.add.f32.msk vm4, v12  }
0x176: {  	s2 =	sadd.s32 $0xC0, s2;
	s29 =	sadd.s32 $0x60, s29;
	[tilespmem:v23+s26+$0x0] =	vst.idx.add.f32.msk vm5, v13  }
0x177: {  	_ =	sdelay $0x3  }
0x178: {  	v6 =	vmul.f32 v8, v6  }
0x179: {  	[tilespmem:v11+s26+$0x0] =	vst.idx.add.f32.msk vm0, v9;
	v3 =	vmul.f32 v7, v3  }
0x17a: {  	v1 =	vmul.f32 v10, v1;
	[tilespmem:v2+s26+$0x0] =	vst.idx.add.f32.msk vm3, v6  }
0x17b: {  	[tilespmem:v4+s26+$0x0] =	vst.idx.add.f32.msk vm1, v3  }
0x17c: {  	[tilespmem:v5+s26+$0x0] =	vst.idx.add.f32.msk vm2, v1  }
0x17d: {  	_ =	swait.ge [sflag:s25], $0x4E00  }
0x17e: {  	[sflag:s25] =	ssyncset.done $0x0  }
0x17f: {  	[sflag:s25] =	ssyncadd.s32 $0xFFFFB200  }
0x180: {  	s1 =	simm.s32 $0x0;
	s2 =	simm.s32 $0xA030;
	_ =	swait.ge [sflag:s25], $0x2700  }
0x181: {  	s0 =	simm.s32 $0x0;
	s4 =	simm.s32 $0x30;
	[sflag:s25] =	ssyncset.done $0x0  }
0x182: {  	s5 =	simm.s32 $0x60;
	s1 =	sand.u32 $0x7F00, s1;
	[sflag:s25] =	ssyncadd.s32 $0xFFFFD900  }
0x183: {  	s6 =	sand.u32 $0x60, s0;
	s4 =	sand.u32 $0x70, s4;
	s5 =	sand.u32 $0xFF00, s5;
	v1 =	vld [tilespmem:s2+$0x10]  }
0x184: {  	s14 =	sor.u32 $0x10, s6;
	s1 =	sadd.s32 $0x400, s1;
	s4 =	sor.u32 s4, s5;
	v2 =	vld [tilespmem:s2+$0x0]  }
0x185: {  	s30 =	simm.s32 $0xA0;
	s15 =	simm.s32 $0x50;
	s16 =	sor.u32 s14, s1;
	v3 =	vld [tilespmem:s4+$0x480]  }
0x186: {  	s17 =	sand.u32 $0x70, s15;
	s5 =	sand.u32 $0xFF00, s30;
	s1 =	sor.u32 s6, s1;
	v4 =	vld [tilespmem:s16+$0x80]  }
0x187: {  	s5 =	sor.u32 s17, s5;
	v5 =	vld [tilespmem:s1+$0x0]  }
0x188: {  	s23 =	simm.s32 $0x20;
	s24 =	simm.s32 $0x40;
	v6 =	vld [tilespmem:s5+$0x480]  }
0x189: {  	s15 =	sand.u32 $0xFF00, s24;
	s6 =	sand.u32 $0x60, s23;
	v7 =	vld [tilespmem:s4+$0x400]  }
0x18a: {  	s30 =	sor.u32 s6, s15;
	v8 =	vld [tilespmem:s16+$0x0]  }
0x18b: {  	v9 =	vld [tilespmem:s30+$0x480]  }
0x18c: {  	s17 =	simm.s32 $0x40;
	s16 =	simm.s32 $0x80;
	v10 =	vld [tilespmem:s1+$0x80]  }
0x18d: {  	s24 =	sand.u32 $0x60, s17;
	v12 =	vld [tilespmem:s5+$0x400];
	s23 =	sand.u32 $0xFF00, s16  }
0x18e: {  	v13 =	vld [tilespmem:s30+$0x400];
	s1 =	sor.u32 s24, s23;
	v14 =	vand.u32 $0x1FF, v7  }
0x18f: {  	s30 =	sand.u32 $0x3F80, s0;
	v16 =	vld [tilespmem:s1+$0x400];
	v11 =	vand.u32 $0x1FF, v5  }
0x190: {  	v17 =	vld [tilespmem:s1+$0x480];
	s1 =	sor.u32 s14, s30;
	v15 =	vand.u32 $0x1FF, v8  }
0x191: {  	v20 =	vld [tilespmem:s1+$0xA000];
	vm0 =	vlt.s32 v5, $0x200;
	vm1 =	vlt.s32 v8, $0x200;
	vm2 =	vlt.s32 v7, $0x200  }
0x192: {  	vm3 =	vgt.s32 v3, $0x1849F;
	v3 =	vadd.s32 $0x160, v3;
	v7 =	vld [tilespmem:s2+$0xFFFFFFD0];
	v18 =	vadd.s32 $0x160, v10  }
0x193: {  	vm4 =	vgt.s32 v4, $0x1849F;
	v62 =	vand.u32 $0x1FF, v12;
	v4 =	vadd.s32 $0x160, v4;
	v8 =	vld.idx.msk [tilespmem:v14+s3+$0x0], $0xffff  }
0x194: {  	v19 =	vand.u32 $0x1FF, v13;
	vm5 =	vgt.s32 v9, $0x1849F;
	vm2 =	vmand vm2, vm3;
	v5 =	vld.idx.msk [tilespmem:v11+s3+$0x0], $0xffff  }
0x195: {  	vm6 =	vgt.s32 v6, $0x1849F;
	vm3 =	vgt.s32 v10, $0x1849F;
	v10 =	vand.u32 $0x1FF, v3;
	v15 =	vld.idx.msk [tilespmem:v15+s3+$0x0], $0xffff  }
0x196: {  	vm4 =	vmand vm1, vm4;
	v3 =	vld [tilespmem:s2+$0xFFFFFFF0];
	v22 =	vand.u32 $0x1FF, v4;
	v21 =	vand.u32 $0x1FF, v16  }
0x197: {  	vm1 =	vlt.s32 v13, $0x200;
	v11 =	vadd.s32 $0x160, v9;
	v9 =	vadd.s32 $0x160, v6;
	v6 =	vld [tilespmem:s2+$0x20]  }
0x198: {  	vm0 =	vmand vm0, vm3;
	v4 =	vand.u32 $0x1FF, v11;
	v23 =	vmul.f32 v8, v2;
	v8 =	vld.idx.msk [tilespmem:v62+s3+$0x0], $0xffff  }
0x199: {  	v11 =	vand.u32 $0x1FF, v18;
	v2 =	vand.u32 $0x1FF, v9;
	v9 =	vmul.f32 v5, v7;
	v7 =	vld.idx.msk [tilespmem:v19+s3+$0x0], $0xffff  }
0x19a: {  	v24 =	vadd.s32 $0x160, v17;
	v63 =	vmul.f32 v15, v20;
	[tilespmem:v10+s26+$0x0] =	vst.idx.add.f32.msk vm2, v23;
	vm2 =	vlt.s32 v12, $0x200  }
0x19b: {  	vm7 =	vgt.s32 v17, $0x1849F;
	vm8 =	vlt.s32 v16, $0x200;
	v10 =	vld.idx.msk [tilespmem:v21+s3+$0x0], $0xffff;
	vm3 =	vmand vm2, vm6  }
0x19c: {  	s29 =	simm.s32 $0xA090;
	vm1 =	vmand vm1, vm5;
	s2 =	simm.s32 $0xC0;
	v5 =	vand.u32 $0x1FF, v24;
	[tilespmem:v22+s26+$0x0] =	vst.idx.add.f32.msk vm4, v63;
	vm2 =	vmand vm8, vm7  }
.LBB2_10:
0x19d: {  	s1 =	sand.u32 $0x7F00, s2  }
0x19e: {  	s4 =	sadd.s32 $0x90, s0;
	[tilespmem:v11+s26+$0x0] =	vst.idx.add.f32.msk vm0, v9;
	s5 =	smov.u32 s0;
	s0 =	sadd.s32 $0x60, s0  }
0x19f: {  	s14 =	sadd.s32 $0x80, s2;
	v6 =	vmul.f32 v8, v6;
	s6 =	sand.u32 $0x60, s0;
	s4 =	sand.u32 $0x70, s4;
	v9 =	vld [tilespmem:s29+$0x10]  }
0x1a0: {  	s15 =	sadd.s32 $0x80, s5;
	s14 =	sand.u32 $0xFF00, s14;
	v3 =	vmul.f32 v7, v3;
	s30 =	sor.u32 $0x10, s6;
	v12 =	vld [tilespmem:s29+$0x0]  }
0x1a1: {  	s16 =	sadd.s32 $0x40, s2;
	s17 =	sadd.s32 $0x60, s2;
	s23 =	sadd.s32 $0xA0, s2;
	v7 =	vmul.f32 v10, v1;
	[tilespmem:v2+s26+$0x0] =	vst.idx.add.f32.msk vm3, v6  }
0x1a2: {  	s1 =	sadd.s32 $0x400, s1;
	s17 =	sand.u32 $0xFF00, s17;
	s24 =	sadd.s32 $0xA0, s5;
	[tilespmem:v4+s26+$0x0] =	vst.idx.add.f32.msk vm1, v3  }
0x1a3: {  	s5 =	sadd.s32 $0xB0, s5;
	s4 =	sor.u32 s4, s17;
	s17 =	sand.u32 $0x60, s24;
	[tilespmem:v5+s26+$0x0] =	vst.idx.add.f32.msk vm2, v7  }
0x1a4: {  	s16 =	sand.u32 $0xFF00, s16;
	s24 =	sor.u32 s30, s1;
	s14 =	sor.u32 s17, s14;
	v2 =	vld [tilespmem:s4+$0x480];
	v1 =	vmov v9  }
0x1a5: {  	s5 =	sand.u32 $0x70, s5;
	s1 =	sor.u32 s6, s1;
	s6 =	sand.u32 $0xFF00, s23;
	v3 =	vld [tilespmem:s24+$0x80]  }
0x1a6: {  	p1 =	slt.u32 s0, $0x26A0;
	s5 =	sor.u32 s5, s6;
	v4 =	vld [tilespmem:s1+$0x0]  }
0x1a7: {  	s6 =	sand.u32 $0x60, s15;
	v5 =	vld [tilespmem:s5+$0x480]  }
0x1a8: {  	s6 =	sor.u32 s6, s16;
	v6 =	vld [tilespmem:s4+$0x400]  }
0x1a9: {  	v7 =	vld [tilespmem:s24+$0x0]  }
0x1aa: {  	v8 =	vld [tilespmem:s6+$0x480]  }
0x1ab: {  	v9 =	vld [tilespmem:s1+$0x80];
	v10 =	vand.u32 $0x1FF, v4  }
0x1ac: {  	v13 =	vld [tilespmem:s5+$0x400]  }
0x1ad: {  	vm0 =	vlt.s32 v4, $0x200;
	v4 =	vld [tilespmem:s6+$0x400];
	v11 =	vand.u32 $0x1FF, v6  }
0x1ae: {  	vm4 =	vlt.s32 v6, $0x200;
	vm1 =	vlt.s32 v7, $0x200;
	v7 =	vand.u32 $0x1FF, v7;
	v14 =	vld [tilespmem:s14+$0x400]  }
0x1af: {  	vm5 =	vgt.s32 v2, $0x1849F;
	v2 =	vadd.s32 $0x160, v2;
	v6 =	vadd.s32 $0x160, v8;
	v15 =	vld [tilespmem:s14+$0x480]  }
0x1b0: {  	vm6 =	vgt.s32 v3, $0x1849F;
	v3 =	vadd.s32 $0x160, v3;
	v10 =	vld.idx.msk [tilespmem:v10+s3+$0x0], $0xffff;
	v16 =	vadd.s32 $0x160, v9  }
0x1b1: {  	v18 =	vand.u32 $0x1FF, v2;
	vm2 =	vgt.s32 v8, $0x1849F;
	vm7 =	vgt.s32 v9, $0x1849F;
	v17 =	vld [tilespmem:s29+$0xFFFFFFD0]  }
0x1b2: {  	s1 =	sand.u32 $0x3F80, s0;
	vm3 =	vgt.s32 v5, $0x1849F;
	v2 =	vadd.s32 $0x160, v5;
	v8 =	vand.u32 $0x1FF, v13;
	v19 =	vld.idx.msk [tilespmem:v11+s3+$0x0], $0xffff  }
0x1b3: {  	s1 =	sor.u32 s30, s1;
	vm0 =	vmand vm0, vm7;
	v20 =	vld.idx.msk [tilespmem:v7+s3+$0x0], $0xffff;
	v7 =	vand.u32 $0x1FF, v4;
	v21 =	vand.u32 $0x1FF, v14  }
0x1b4: {  	v2 =	vand.u32 $0x1FF, v2;
	vm4 =	vmand vm4, vm5;
	v22 =	vld [tilespmem:s1+$0xA000];
	v5 =	vadd.s32 $0x160, v15  }
0x1b5: {  	v23 =	vand.u32 $0x1FF, v3;
	vm5 =	vmand vm1, vm6;
	vm6 =	vgt.s32 v15, $0x1849F;
	v3 =	vld [tilespmem:s29+$0xFFFFFFF0]  }
0x1b6: {  	vm1 =	vlt.s32 v4, $0x200;
	v4 =	vand.u32 $0x1FF, v6;
	v9 =	vmul.f32 v10, v17;
	v6 =	vld [tilespmem:s29+$0x20]  }
.Ltmp6:
0x1b7: {  	vm7 =	vlt.s32 v13, $0x200;
	v11 =	vand.u32 $0x1FF, v16;
	v5 =	vand.u32 $0x1FF, v5;
	v8 =	vld.idx.msk [tilespmem:v8+s3+$0x0], $0xffff;
	(pc) =	sbr.rel @p1 .LBB2_10-.Ltmp6, $4  }
0x1b8: {  	vm3 =	vmand vm7, vm3;
	vm1 =	vmand vm1, vm2;
	v12 =	vmul.f32 v19, v12;
	v7 =	vld.idx.msk [tilespmem:v7+s3+$0x0], $0xffff  }
0x1b9: {  	vm2 =	vlt.s32 v14, $0x200;
	v13 =	vmul.f32 v20, v22;
	v10 =	vld.idx.msk [tilespmem:v21+s3+$0x0], $0xffff  }
0x1ba: {  	vm2 =	vmand vm2, vm6;
	[tilespmem:v18+s26+$0x0] =	vst.idx.add.f32.msk vm4, v12  }
0x1bb: {  	s2 =	sadd.s32 $0xC0, s2;
	s29 =	sadd.s32 $0x60, s29;
	[tilespmem:v23+s26+$0x0] =	vst.idx.add.f32.msk vm5, v13  }
0x1bc: {  	_ =	sdelay $0x3  }
.Ltmp7:
0x1bd: {  	v6 =	vmul.f32 v8, v6;
	(pc) =	sbr.rel @p0 .LBB2_15-.Ltmp7, $4  }
0x1be: {  	[tilespmem:v11+s26+$0x0] =	vst.idx.add.f32.msk vm0, v9;
	v3 =	vmul.f32 v7, v3  }
0x1bf: {  	v1 =	vmul.f32 v10, v1;
	[tilespmem:v2+s26+$0x0] =	vst.idx.add.f32.msk vm3, v6  }
0x1c0: {  	[tilespmem:v4+s26+$0x0] =	vst.idx.add.f32.msk vm1, v3  }
0x1c1: {  	[tilespmem:v5+s26+$0x0] =	vst.idx.add.f32.msk vm2, v1  }
0x1c2: {  	s0 =	rddreg [dreg:$0x9];
	s1 =	simm.s32 $0xEE00  }
0x1c3: {  	s16 =	simm.s32 $0x10200;
	s17 =	simm.s32 $0x80;
	s23 =	simm.s32 $0x0  }
0x1c4: {  	[tilespmem:s1], [sflag:$0x3] =	stream.linear.gather [hbm4b:s0+s3], $0x1400, $0x38;
	[tilespmem:$0x10C00] =	vst v63  }
0x1c5: {  	s2 =	simm.s32 $0x10;
	s4 =	simm.s32 $0x20;
	_ =	swait.ge [sflag:s20], $0x1400  }
0x1c6: {  	s6 =	simm.s32 $0x40;
	s14 =	simm.s32 $0x0;
	[sflag:s20] =	ssyncset.done $0x0  }
0x1c7: {  	s24 =	simm.s32 $0x20;
	s15 =	rddreg [dreg:$0xa];
	[sflag:s20] =	ssyncadd.s32 $0xFFFFEC00  }
0x1c8: {  	[tilespmem:s16], [sflag:$0x3] =	stream.linear.gather [hbm4b:s15+s3], $0xA00, $0x38;
	[tilespmem:$0x10C00] =	vst v63  }
0x1c9: {  	s1 =	sand.u32 $0x70, s23;
	s6 =	sand.u32 $0x70, s6;
	_ =	swait.ge [sflag:s20], $0xA00  }
0x1ca: {  	s0 =	sand.u32 $0x3F00, s17;
	s2 =	sand.u32 $0x70, s2;
	[sflag:s20] =	ssyncset.done $0x0  }
0x1cb: {  	s14 =	sand.u32 $0x1F00, s14;
	s0 =	sor.u32 s6, s0;
	[sflag:s20] =	ssyncadd.s32 $0xFFFFF600  }
0x1cc: {  	s6 =	sand.u32 $0x3F00, s24;
	s1 =	sor.u32 s1, s14;
	s15 =	simm.s32 $0x40;
	v1 =	vld [tilespmem:s0+$0xEE00]  }
0x1cd: {  	s4 =	sand.u32 $0x70, s4;
	s2 =	sor.u32 s2, s6;
	s15 =	sand.u32 $0x3F00, s15;
	v2 =	vld [tilespmem:s1+$0xEE00]  }
0x1ce: {  	s5 =	simm.s32 $0x30;
	s30 =	simm.s32 $0x60;
	s4 =	sor.u32 s4, s15;
	v3 =	vld [tilespmem:s2+$0xEE00]  }
0x1cf: {  	s5 =	sand.u32 $0x70, s5;
	s14 =	sand.u32 $0x3F00, s30;
	v4 =	vld [tilespmem:s4+$0xEE00]  }
0x1d0: {  	s5 =	sor.u32 s5, s14;
	v7 =	vld [tilespmem:s0+$0xEE80]  }
0x1d1: {  	v5 =	vld [tilespmem:s5+$0xEE00]  }
0x1d2: {  	v8 =	vld [tilespmem:s1+$0xEE80];
	v6 =	vand.u32 $0x1FF, v1  }
0x1d3: {  	v10 =	vld [tilespmem:s2+$0xEE80];
	v9 =	vand.u32 $0x1FF, v2  }
0x1d4: {  	s15 =	simm.s32 $0x10220;
	v12 =	vld [tilespmem:s4+$0xEE80];
	v11 =	vand.u32 $0x1FF, v3  }
0x1d5: {  	v15 =	vld [tilespmem:s15+$0x20];
	v13 =	vand.u32 $0x1FF, v4;
	vm0 =	vlt.s32 v1, $0x200;
	vm1 =	vgt.s32 v7, $0x1849F  }
0x1d6: {  	v14 =	vand.u32 $0x1FF, v5;
	vm0 =	vmand vm0, vm1;
	vm1 =	vlt.s32 v2, $0x200;
	v2 =	vld [tilespmem:s15+$0xFFFFFFE0]  }
0x1d7: {  	v6 =	vld.idx.msk [tilespmem:v6+s3+$0x0], $0xffff  }
0x1d8: {  	v1 =	vld.idx.msk [tilespmem:v9+s3+$0x0], $0xffff  }
0x1d9: {  	v7 =	vadd.s32 $0x160, v7;
	v9 =	vld.idx.msk [tilespmem:v11+s3+$0x0], $0xffff  }
0x1da: {  	vm2 =	vgt.s32 v8, $0x1849F;
	v7 =	vand.u32 $0x1FF, v7;
	v11 =	vld.idx.msk [tilespmem:v13+s3+$0x0], $0xffff  }
0x1db: {  	vm3 =	vlt.s32 v3, $0x200;
	v3 =	vadd.s32 $0x160, v8;
	vm1 =	vmand vm1, vm2;
	v8 =	vld.idx.msk [tilespmem:v14+s3+$0x0], $0xffff  }
0x1dc: {  	v3 =	vand.u32 $0x1FF, v3;
	v13 =	vld [tilespmem:s15+$0xFFFFFFF0]  }
0x1dd: {  	s24 =	simm.s32 $0x90;
	vm2 =	vgt.s32 v10, $0x1849F;
	v14 =	vld [tilespmem:s5+$0xEE80];
	v6 =	vmul.f32 v6, v15  }
0x1de: {  	s23 =	simm.s32 $0x70;
	s14 =	sand.u32 $0x70, s24;
	v10 =	vadd.s32 $0x160, v10;
	vm2 =	vmand vm3, vm2;
	v1 =	vmul.f32 v1, v2;
	v2 =	vld [tilespmem:s15+$0x10]  }
0x1df: {  	s16 =	simm.s32 $0x60;
	s0 =	simm.s32 $0x50;
	s2 =	simm.s32 $0x120;
	v10 =	vand.u32 $0x1FF, v10;
	[tilespmem:v7+s26+$0x0] =	vst.idx.add.f32.msk vm0, v6  }
0x1e0: {  	s4 =	sand.u32 $0x70, s16;
	s16 =	simm.s32 $0xA0;
	s17 =	sand.u32 $0x3F00, s2;
	v6 =	vld [tilespmem:s15+$0x0]  }
0x1e1: {  	s30 =	sand.u32 $0x70, s0;
	s16 =	sand.u32 $0x1F00, s16;
	s1 =	sor.u32 s14, s17;
	[tilespmem:v3+s26+$0x0] =	vst.idx.add.f32.msk vm1, v1  }
0x1e2: {  	s5 =	sand.u32 $0x70, s23;
	s23 =	simm.s32 $0xC0;
	v1 =	vmul.f32 v9, v13;
	v7 =	vld [tilespmem:s1+$0xEE00];
	s15 =	sor.u32 s30, s16  }
0x1e3: {  	s6 =	simm.s32 $0x80;
	s17 =	simm.s32 $0xE0;
	s14 =	sand.u32 $0x3F00, s23;
	v9 =	vld [tilespmem:s15+$0xEE00]  }
0x1e4: {  	s24 =	simm.s32 $0x100;
	s17 =	sand.u32 $0x3F00, s17;
	s4 =	sor.u32 s4, s14;
	[tilespmem:v10+s26+$0x0] =	vst.idx.add.f32.msk vm2, v1  }
0x1e5: {  	s6 =	sand.u32 $0x70, s6;
	s5 =	sor.u32 s5, s17;
	s30 =	sand.u32 $0x3F00, s24;
	v10 =	vld [tilespmem:s4+$0xEE00]  }
0x1e6: {  	v13 =	vld [tilespmem:s5+$0xEE00];
	s6 =	sor.u32 s6, s30  }
0x1e7: {  	vm0 =	vlt.s32 v4, $0x200;
	vm1 =	vlt.s32 v5, $0x200;
	v15 =	vld [tilespmem:s6+$0xEE00];
	vm2 =	vgt.s32 v12, $0x1849F  }
0x1e8: {  	v5 =	vld [tilespmem:s1+$0xEE80];
	v1 =	vadd.s32 $0x160, v12;
	vm3 =	vmand vm0, vm2;
	v16 =	vand.u32 $0x1FF, v7  }
0x1e9: {  	s29 =	simm.s32 $0x10270;
	v12 =	vld [tilespmem:s15+$0xEE80];
	v4 =	vmul.f32 v8, v2;
	vm0 =	vgt.s32 v14, $0x1849F;
	v17 =	vand.u32 $0x1FF, v9  }
0x1ea: {  	v2 =	vadd.s32 $0x160, v14;
	v14 =	vld [tilespmem:s29+$0x20];
	v3 =	vmul.f32 v11, v6;
	v6 =	vand.u32 $0x1FF, v10  }
0x1eb: {  	v11 =	vld [tilespmem:s4+$0xEE80];
	vm5 =	vlt.s32 v10, $0x200;
	v10 =	vand.u32 $0x1FF, v13  }
0x1ec: {  	vm6 =	vlt.s32 v13, $0x200;
	vm2 =	vlt.s32 v9, $0x200;
	v9 =	vld [tilespmem:s5+$0xEE80];
	v13 =	vand.u32 $0x1FF, v15  }
0x1ed: {  	v1 =	vand.u32 $0x1FF, v1;
	vm4 =	vlt.s32 v7, $0x200;
	vm7 =	vgt.s32 v5, $0x1849F;
	v16 =	vld.idx.msk [tilespmem:v16+s3+$0x0], $0xffff  }
0x1ee: {  	vm0 =	vmand vm1, vm0;
	v7 =	vadd.s32 $0x160, v5;
	vm7 =	vmand vm4, vm7;
	v8 =	vld.idx.msk [tilespmem:v17+s3+$0x0], $0xffff  }
0x1ef: {  	v2 =	vand.u32 $0x1FF, v2;
	vm1 =	vmmov vm3;
	v63 =	vand.u32 $0x1FF, v7;
	v5 =	vld.idx.msk [tilespmem:v6+s3+$0x0], $0xffff  }
0x1f0: {  	vm0 =	vmmov vm0;
	vm3 =	vlt.s32 v15, $0x200;
	vm4 =	vgt.s32 v12, $0x1849F;
	v6 =	vld.idx.msk [tilespmem:v10+s3+$0x0], $0xffff  }
0x1f1: {  	vm4 =	vmand vm2, vm4;
	vm8 =	vgt.s32 v11, $0x1849F;
	v11 =	vadd.s32 $0x160, v11;
	v7 =	vld.idx.msk [tilespmem:v13+s3+$0x0], $0xffff  }
0x1f2: {  	vm9 =	vgt.s32 v9, $0x1849F;
	v10 =	vadd.s32 $0x160, v12;
	v12 =	vld [tilespmem:s6+$0xEE80];
	v14 =	vmul.f32 v16, v14  }
0x1f3: {  	v15 =	vadd.s32 $0x160, v9;
	vm2 =	vmand vm5, vm8;
	v9 =	vand.u32 $0x1FF, v11;
	v13 =	vld [tilespmem:s29+$0xFFFFFFE0]  }
0x1f4: {  	vm5 =	vmand vm6, vm9;
	v11 =	vand.u32 $0x1FF, v15;
	v10 =	vand.u32 $0x1FF, v10;
	[tilespmem:v63+s26+$0x0] =	vst.idx.add.f32.msk vm7, v14  }
.LBB2_13:
0x1f5: {  	v14 =	vld [tilespmem:s29+$0xFFFFFFF0];
	s1 =	smov.u32 s0;
	s0 =	sadd.s32 $0x50, s0  }
0x1f6: {  	s4 =	sadd.s32 $0x60, s1;
	s5 =	sadd.s32 $0x70, s1;
	s6 =	sadd.s32 $0x80, s1;
	v15 =	vld [tilespmem:s29+$0x0]  }
0x1f7: {  	vm6 =	vgt.s32 v12, $0x1849F;
	v12 =	vadd.s32 $0x160, v12;
	s14 =	sand.u32 $0x70, s0;
	s4 =	sand.u32 $0x70, s4;
	s5 =	sand.u32 $0x70, s5;
	v16 =	vld [tilespmem:s29+$0x10]  }
0x1f8: {  	v8 =	vmul.f32 v8, v13;
	s2 =	sadd.s32 $0xA0, s2;
	s1 =	sadd.s32 $0x90, s1;
	vm3 =	vmand vm3, vm6;
	v12 =	vand.u32 $0x1FF, v12;
	s6 =	sand.u32 $0x70, s6;
	[tilespmem:v1+s26+$0x0] =	vst.idx.add.f32.msk vm1, v3;
	v1 =	vmovc v11  }
0x1f9: {  	s15 =	sadd.s32 $0xFFFFFF80, s2;
	s16 =	sand.u32 $0x3F00, s2;
	s1 =	sand.u32 $0x70, s1;
	vm1 =	vmmov vm5;
	[tilespmem:v2+s26+$0x0] =	vst.idx.add.f32.msk vm0, v4;
	v2 =	vmov v12;
	vm0 =	vmmov vm3  }
0x1fa: {  	s17 =	sadd.s32 $0xFFFFFFA0, s2;
	s23 =	sadd.s32 $0xFFFFFFC0, s2;
	s1 =	sor.u32 s1, s16;
	[tilespmem:v10+s26+$0x0] =	vst.idx.add.f32.msk vm4, v8;
	v4 =	vmul.f32 v5, v14  }
0x1fb: {  	s15 =	sand.u32 $0x1F00, s15;
	s16 =	sand.u32 $0x3F00, s17;
	s17 =	sadd.s32 $0xFFFFFFE0, s2;
	v5 =	vld [tilespmem:s1+$0xEE00];
	v3 =	vmul.f32 v6, v15  }
0x1fc: {  	s14 =	sor.u32 s14, s15;
	s15 =	sand.u32 $0x3F00, s23;
	s17 =	sand.u32 $0x3F00, s17;
	[tilespmem:v9+s26+$0x0] =	vst.idx.add.f32.msk vm2, v4;
	v4 =	vmul.f32 v7, v16  }
0x1fd: {  	s4 =	sor.u32 s4, s16;
	s5 =	sor.u32 s5, s15;
	s6 =	sor.u32 s6, s17;
	v6 =	vld [tilespmem:s14+$0xEE00]  }
0x1fe: {  	p1 =	slt.u32 s0, $0x9B0;
	v7 =	vld [tilespmem:s4+$0xEE00]  }
0x1ff: {  	v8 =	vld [tilespmem:s5+$0xEE00]  }
0x200: {  	v9 =	vld [tilespmem:s6+$0xEE00];
	v10 =	vand.u32 $0x1FF, v5  }
0x201: {  	v11 =	vld [tilespmem:s1+$0xEE80]  }
0x202: {  	v12 =	vld [tilespmem:s14+$0xEE80];
	vm2 =	vlt.s32 v6, $0x200;
	v6 =	vand.u32 $0x1FF, v6  }
0x203: {  	v13 =	vld [tilespmem:s4+$0xEE80];
	vm5 =	vlt.s32 v7, $0x200;
	v7 =	vand.u32 $0x1FF, v7  }
0x204: {  	v14 =	vld [tilespmem:s5+$0xEE80];
	vm6 =	vlt.s32 v8, $0x200;
	v15 =	vand.u32 $0x1FF, v8  }
0x205: {  	s29 =	sadd.s32 $0x50, s29;
	vm3 =	vlt.s32 v9, $0x200;
	v9 =	vand.u32 $0x1FF, v9;
	v16 =	vld.idx.msk [tilespmem:v10+s3+$0x0], $0xffff  }
0x206: {  	vm4 =	vlt.s32 v5, $0x200;
	v17 =	vld [tilespmem:s29+$0x20];
	vm7 =	vgt.s32 v11, $0x1849F  }
0x207: {  	vm8 =	vgt.s32 v12, $0x1849F;
	v8 =	vld.idx.msk [tilespmem:v6+s3+$0x0], $0xffff;
	vm7 =	vmand vm4, vm7;
	v6 =	vadd.s32 $0x160, v11  }
0x208: {  	v10 =	vadd.s32 $0x160, v12;
	vm9 =	vgt.s32 v13, $0x1849F;
	v5 =	vld.idx.msk [tilespmem:v7+s3+$0x0], $0xffff;
	v18 =	vand.u32 $0x1FF, v6  }
.Ltmp8:
0x209: {  	v11 =	vadd.s32 $0x160, v13;
	vm10 =	vgt.s32 v14, $0x1849F;
	v6 =	vld.idx.msk [tilespmem:v15+s3+$0x0], $0xffff;
	v14 =	vadd.s32 $0x160, v14;
	(pc) =	sbr.rel @p1 .LBB2_13-.Ltmp8, $4  }
0x20a: {  	vm4 =	vmand vm2, vm8;
	vm2 =	vmand vm5, vm9;
	vm5 =	vmand vm6, vm10;
	v7 =	vld.idx.msk [tilespmem:v9+s3+$0x0], $0xffff  }
0x20b: {  	v10 =	vand.u32 $0x1FF, v10;
	v9 =	vand.u32 $0x1FF, v11;
	v12 =	vld [tilespmem:s6+$0xEE80];
	v15 =	vmul.f32 v16, v17  }
0x20c: {  	v11 =	vand.u32 $0x1FF, v14;
	v13 =	vld [tilespmem:s29+$0xFFFFFFE0]  }
0x20d: {  	[tilespmem:v18+s26+$0x0] =	vst.idx.add.f32.msk vm7, v15  }
.Ltmp9:
0x20e: {  	_ = 	snop;
	(pc) =	sbr.rel .LBB2_14-.Ltmp9, $1  }
0x20f: {  	_ =	sdelay $0x3  }
.LBB2_16:
0x210: {  	_ =	sfence.sel $0x180000  }
0x211: {  	[bflag:$0x0] =	sbarrier.arrive $0xFFFF  }
0x212: {  	_ =	strace $0x90000047  }
0x213: {  	s0 =	stileid.u32;
	[bflag:$0x2] =	sbarrier.arrive $0xFFFF  }
0x214: {  	p0 =	sne.s32 s0, $0x0;
	s0 =	rddreg [dreg:$0x5]  }
0x215: {  	s0 =	sadd.s32 @!p0 $0x100000, s0  }
0x216: {  	[sflag:s0] =	ssyncadd.tile.s32 @!p0 $0x1;
	_ =	shalt  }
.Lfunc_end2:
_tile_overlayer_lowered:
.L_overlay_start_2:
0x217: {  	(tag) =	ssettag $0x2  }
0x218: {  	s0 =	rddreg [dreg:$0x0];
	s2 =	stileid.u32  }
0x219: {  	s1 =	rddreg [dreg:$0x1];
	p0 =	sne.s32 s2, $0x0  }
0x21a: {  	s3 =	rddreg [dreg:$0x2];
	[bflag:$0x3] =	sbarrier.arrive $0xFFFF;
	s2 =	simm.s32 @!p0 $0x1C03  }
0x21b: {  	[timem:s3], [sflag:s2] =	dma.local @!p0 [hbm:s0], s1  }
0x21c: {  	s0 =	simm.s32 @!p0 $0x3  }
0x21d: {  	_ =	swait.ge @!p0 [sflag:s0], s1  }
0x21e: {  	s1 =	ssub.s32 @!p0 $0x0, s1;
	[sflag:s0] =	ssyncset.done @!p0 $0x0  }
0x21f: {  	[sflag:s0] =	ssyncadd.s32 @!p0 s1  }
0x220: {  	[bflag:$0x3] =	sbarrier.arrive $0xFFFF  }
0x221: {  	_ =	shalt  }

</sc_bundles>
